<compile_context>
chip_gen: v7x
topology: tpu7x:2x2x1
jax: 0.10.2.dev20260603
libtpu: 0.0.44.dev20260713+nightly
codegen_flags: <defaults>
</compile_context>

<pallas_src>
import jax
import jax.numpy as jnp
import numpy as np
from jax.experimental import pallas as pl
from jax.experimental.pallas import tpu as pltpu

B, L, DIM, S, TOPK, THR = 4, 2048, 768, 32, 8, 0.5
LB = 512
NL = L // LB
F32 = jnp.float32
_HI = jax.lax.Precision.HIGHEST


def _k1_stats(zr_ref, zi_ref, wr_ref, wi_ref, ps_ref, am_ref, rms_ref):
    xr = zr_ref[0]
    xi = zi_ref[0]
    pr = (jnp.dot(xr, wr_ref[...], preferred_element_type=F32)
          - jnp.dot(xi, wi_ref[...], preferred_element_type=F32))
    pi = (jnp.dot(xr, wi_ref[...], preferred_element_type=F32)
          + jnp.dot(xi, wr_ref[...], preferred_element_type=F32))
    ps_ref[0] = jnp.sqrt(pr * pr + pi * pi)
    msq = xr * xr + xi * xi
    mag = jnp.sqrt(msq)
    am_ref[0] = jnp.sum(mag, axis=1, keepdims=True) * (1.0 / DIM)
    rms_ref[0] = jnp.sqrt(jnp.sum(msq, axis=1, keepdims=True) * (1.0 / DIM)
                          + 1e-8)


def _shift_right(x, k, lane):
    return jnp.where(lane >= k, jnp.roll(x, k, axis=1), 0.0)


def _shift_left(x, k, lane):
    return jnp.where(lane < L - k, jnp.roll(x, -k, axis=1), 0.0)


def _t_row(col_ref):
    ones11 = jnp.ones((1, 1), F32)
    return jax.lax.dot_general(ones11, col_ref[0], (((1,), (1,)), ((), ())),
                               preferred_element_type=F32,
                               precision=_HI)


def _k2_segment(ps_ref, am_ref, local_ref, bias_ref, nov_ref, sal_ref,
                seg_ref, w_ref):
    lane = jax.lax.broadcasted_iota(jnp.int32, (1, L), 1)
    am = _t_row(am_ref)
    local = _t_row(local_ref)
    novelty = (am - local) * nov_ref[0, 0]
    sal = jax.nn.sigmoid(_t_row(ps_ref) + novelty + bias_ref[0, 0])
    sal_ref[0] = sal
    above = sal > THR
    abovef = above.astype(F32)
    prev = _shift_right(abovef, 1, lane)
    start = jnp.where(above, 1.0 - prev, 0.0)
    cum = start
    k = 1
    while k < L:
        cum = cum + _shift_right(cum, k, lane)
        k *= 2
    span = cum - 1.0
    seg_ref[0] = jnp.where(above, jnp.minimum(span, float(S)), float(S))
    w_ref[0] = jnp.where(above, sal, 0.0)


def _k3_pool(zr_ref, zi_ref, seg_ref, w_ref, evr_ref, evi_ref, em_ref,
             accr, acci, accw):
    li = pl.program_id(1)

    @pl.when(li == 0)
    def _():
        accr[...] = jnp.zeros_like(accr)
        acci[...] = jnp.zeros_like(acci)
        accw[...] = jnp.zeros_like(accw)

    seg = seg_ref[0]
    w = w_ref[0]
    sid = jax.lax.broadcasted_iota(jnp.int32, (S + 1, 1), 0).astype(F32)
    oht = (seg == sid).astype(F32)
    ohtw = oht * w
    accr[...] += jnp.dot(ohtw, zr_ref[0], preferred_element_type=F32,
                         precision=_HI)
    acci[...] += jnp.dot(ohtw, zi_ref[0], preferred_element_type=F32,
                         precision=_HI)
    den = jnp.sum(ohtw, axis=1, keepdims=True)
    cnt = jnp.sum(oht * (w > 0.0), axis=1, keepdims=True)
    accw[...] += jnp.concatenate([den, cnt], axis=1)

    @pl.when(li == NL - 1)
    def _():
        den_f = jnp.maximum(accw[:S, 0:1], 1e-8)
        evr_ref[0] = accr[:S, :] / den_f
        evi_ref[0] = acci[:S, :] / den_f
        em_ref[0] = (accw[:S, 1:2] > 0.0).astype(F32)


def _k4_project(evr_ref, evi_ref, em_ref, skr_ref, ski_ref, svr_ref, svi_ref,
                sm_ref, wkr_ref, wki_ref, wvr_ref, wvi_ref,
                nkr_ref, nki_ref, nvr_ref, nvi_ref, nm_ref):
    er = evr_ref[0]
    ei = evi_ref[0]
    m = em_ref[0]

    def clin(wr_ref, wi_ref):
        yr = (jnp.dot(er, wr_ref[...], preferred_element_type=F32)
              - jnp.dot(ei, wi_ref[...], preferred_element_type=F32))
        yi = (jnp.dot(er, wi_ref[...], preferred_element_type=F32)
              + jnp.dot(ei, wr_ref[...], preferred_element_type=F32))
        return yr, yi

    ekr, eki = clin(wkr_ref, wki_ref)
    evvr, evvi = clin(wvr_ref, wvi_ref)
    nkr_ref[0] = m * ekr + (1.0 - m) * skr_ref[0]
    nki_ref[0] = m * eki + (1.0 - m) * ski_ref[0]
    nvr_ref[0] = m * evvr + (1.0 - m) * svr_ref[0]
    nvi_ref[0] = m * evvi + (1.0 - m) * svi_ref[0]
    ones11 = jnp.ones((1, 1), F32)
    m_row = jax.lax.dot_general(ones11, m, (((1,), (1,)), ((), ())),
                                preferred_element_type=F32,
                                precision=_HI)
    nm_ref[0] = jnp.minimum(sm_ref[0] + m_row, 1.0)


def _k5_retrieve(zr_ref, zi_ref, rms_ref, g_ref, wqr_ref, wqi_ref,
                 nkr_ref, nki_ref, nvr_ref, nvi_ref, nm_ref,
                 or_ref, oi_ref):
    inv = g_ref[...] / rms_ref[0]
    znr = zr_ref[0] * inv
    zni = zi_ref[0] * inv
    qr = (jnp.dot(znr, wqr_ref[...], preferred_element_type=F32)
          - jnp.dot(zni, wqi_ref[...], preferred_element_type=F32))
    qi = (jnp.dot(znr, wqi_ref[...], preferred_element_type=F32)
          + jnp.dot(zni, wqr_ref[...], preferred_element_type=F32))
    dn = (((1,), (1,)), ((), ()))
    s = (jax.lax.dot_general(qr, nkr_ref[0], dn, preferred_element_type=F32)
         + jax.lax.dot_general(qi, nki_ref[0], dn, preferred_element_type=F32)
         ) * (1.0 / np.sqrt(DIM))
    s = s + (nm_ref[0] - 1.0) * 1e9
    cur = s
    m1 = jnp.max(cur, axis=1, keepdims=True)
    mk = m1
    for _ in range(TOPK - 1):
        cur = jnp.where(cur >= mk, -1e30, cur)
        mk = jnp.max(cur, axis=1, keepdims=True)
    w = jnp.where(s >= mk, jnp.exp(s - m1), 0.0)
    w = w / jnp.sum(w, axis=1, keepdims=True)
    or_ref[0] = jnp.dot(w, nvr_ref[0], preferred_element_type=F32)
    oi_ref[0] = jnp.dot(w, nvi_ref[0], preferred_element_type=F32)


@jax.jit
def kernel(z, slot_keys, slot_values, slot_mask, sal_Wr, sal_Wi, score_bias,
           novelty_scale, key_Wr, key_Wi, val_Wr, val_Wi, qry_Wr, qry_Wi,
           norm_gamma):
    zr, zi = z[..., 0], z[..., 1]
    skr, ski = slot_keys[..., 0], slot_keys[..., 1]
    svr, svi = slot_values[..., 0], slot_values[..., 1]
    sm3 = slot_mask.reshape(B, 1, S)
    g = norm_gamma.reshape(1, DIM)
    bias = score_bias.reshape(1, 1).astype(F32)
    nov = novelty_scale.reshape(1, 1).astype(F32)

    zspec = pl.BlockSpec((1, LB, DIM), lambda b, l: (b, l, 0))
    colspec = pl.BlockSpec((1, LB, 1), lambda b, l: (b, l, 0))
    rowspec = pl.BlockSpec((1, 1, LB), lambda b, l: (b, 0, l))
    vecspec = pl.BlockSpec((DIM, 1), lambda b, l: (0, 0))

    ps, am, rms = pl.pallas_call(
        _k1_stats,
        grid=(B, NL),
        in_specs=[zspec, zspec, vecspec, vecspec],
        out_specs=[colspec, colspec, colspec],
        out_shape=[jax.ShapeDtypeStruct((B, L, 1), F32)] * 3,
    )(zr, zi, sal_Wr, sal_Wi)

    fullrow = pl.BlockSpec((1, 1, L), lambda b: (b, 0, 0))
    fullcol = pl.BlockSpec((1, L, 1), lambda b: (b, 0, 0))
    scalar = pl.BlockSpec((1, 1), lambda b: (0, 0))
    kern5 = jnp.ones((5,), F32) / 5.0
    local = jax.vmap(lambda a: jnp.convolve(a, kern5, mode='same'))(
        am.reshape(B, L)).reshape(B, L, 1)

    sal3, seg, wgt = pl.pallas_call(
        _k2_segment,
        grid=(B,),
        in_specs=[fullcol, fullcol, fullcol, scalar, scalar],
        out_specs=[fullrow, fullrow, fullrow],
        out_shape=[jax.ShapeDtypeStruct((B, 1, L), F32)] * 3,
    )(ps, am, local, bias, nov)

    evspec = pl.BlockSpec((1, S, DIM), lambda b, l: (b, 0, 0))
    evr, evi, emask = pl.pallas_call(
        _k3_pool,
        grid=(B, NL),
        in_specs=[zspec, zspec, rowspec, rowspec],
        out_specs=[evspec, evspec,
                   pl.BlockSpec((1, S, 1), lambda b, l: (b, 0, 0))],
        out_shape=[jax.ShapeDtypeStruct((B, S, DIM), F32),
                   jax.ShapeDtypeStruct((B, S, DIM), F32),
                   jax.ShapeDtypeStruct((B, S, 1), F32)],
        scratch_shapes=[pltpu.VMEM((S + 1, DIM), F32),
                        pltpu.VMEM((S + 1, DIM), F32),
                        pltpu.VMEM((S + 1, 2), F32)],
    )(zr, zi, seg, wgt)

    slotspec = pl.BlockSpec((1, S, DIM), lambda b: (b, 0, 0))
    wspec = pl.BlockSpec((DIM, DIM), lambda b: (0, 0))
    maskspec = pl.BlockSpec((1, 1, S), lambda b: (b, 0, 0))
    nkr, nki, nvr, nvi, nm3 = pl.pallas_call(
        _k4_project,
        grid=(B,),
        in_specs=[slotspec, slotspec,
                  pl.BlockSpec((1, S, 1), lambda b: (b, 0, 0)),
                  slotspec, slotspec, slotspec, slotspec, maskspec,
                  wspec, wspec, wspec, wspec],
        out_specs=[slotspec, slotspec, slotspec, slotspec, maskspec],
        out_shape=[jax.ShapeDtypeStruct((B, S, DIM), F32)] * 4
        + [jax.ShapeDtypeStruct((B, 1, S), F32)],
    )(evr, evi, emask, skr, ski, svr, svi, sm3, key_Wr, key_Wi,
      val_Wr, val_Wi)

    retr, reti = pl.pallas_call(
        _k5_retrieve,
        grid=(B, NL),
        in_specs=[zspec, zspec, colspec,
                  pl.BlockSpec((1, DIM), lambda b, l: (0, 0)),
                  pl.BlockSpec((DIM, DIM), lambda b, l: (0, 0)),
                  pl.BlockSpec((DIM, DIM), lambda b, l: (0, 0)),
                  pl.BlockSpec((1, S, DIM), lambda b, l: (b, 0, 0)),
                  pl.BlockSpec((1, S, DIM), lambda b, l: (b, 0, 0)),
                  pl.BlockSpec((1, S, DIM), lambda b, l: (b, 0, 0)),
                  pl.BlockSpec((1, S, DIM), lambda b, l: (b, 0, 0)),
                  pl.BlockSpec((1, 1, S), lambda b, l: (b, 0, 0))],
        out_specs=[zspec, zspec],
        out_shape=[jax.ShapeDtypeStruct((B, L, DIM), F32)] * 2,
    )(zr, zi, rms, g, qry_Wr, qry_Wi, nkr, nki, nvr, nvi, nm3)

    retrieved = jnp.stack([retr, reti], axis=-1)
    new_keys = jnp.stack([nkr, nki], axis=-1)
    new_values = jnp.stack([nvr, nvi], axis=-1)
    return retrieved, new_keys, new_values, nm3.reshape(B, S), sal3.reshape(B, L)

# --- scband reference (transcript-rebuilt; emitter-appended) ---
"""Pipeline reference for scband-episodic-memory-70884140253775 (READ-ONLY COPY).

The authoritative reference and input builder live on the scoring server;
editing this copy changes nothing except your own understanding.
"""

import jax, jax.numpy as jnp
import numpy as np

B, L, DIM, S, TOPK, THR = 4, 2048, 768, 32, 8, 0.5

def _cabs(z):
    return jnp.sqrt(z[..., 0] ** 2 + z[..., 1] ** 2)

def _clinear(z, Wr, Wi):
    xr, xi = z[..., 0], z[..., 1]
    return jnp.stack([xr @ Wr - xi @ Wi, xr @ Wi + xi @ Wr], axis=-1)

def _salience(z, sal_Wr, sal_Wi, score_bias, novelty_scale):
    phase_score = _cabs(_clinear(z, sal_Wr, sal_Wi))[..., 0]
    avg_mag = _cabs(z).mean(axis=-1)
    kern = jnp.ones((5,), jnp.float32) / 5.0
    local_mean = jax.vmap(lambda a: jnp.convolve(a, kern, mode='same'))(avg_mag)
    novelty = (avg_mag - local_mean) * novelty_scale
    return jax.nn.sigmoid(phase_score + novelty + score_bias)

def _pool_one(zb, salb):
    above = salb > THR
    prev = jnp.concatenate([jnp.zeros((1,), dtype=bool), above[:-1]])
    start = above & (~prev)
    span_id = jnp.cumsum(start.astype(jnp.int32)) - 1
    seg = jnp.where(above, jnp.minimum(span_id, S), S)
    w = jnp.where(above, salb, 0.0)
    num = jax.ops.segment_sum(zb * w[:, None, None], seg, num_segments=S + 1)[:S]
    den = jax.ops.segment_sum(w, seg, num_segments=S + 1)[:S]
    cnt = jax.ops.segment_sum(above.astype(jnp.float32), seg, num_segments=S + 1)[:S]
    events = num / jnp.maximum(den, 1e-8)[:, None, None]
    return events, (cnt > 0).astype(jnp.float32)

def _forward(z, slot_keys, slot_values, slot_mask, sal_Wr, sal_Wi, score_bias, novelty_scale, key_Wr, key_Wi, val_Wr, val_Wi, qry_Wr, qry_Wi, norm_gamma):
    salience = _salience(z, sal_Wr, sal_Wi, score_bias, novelty_scale)
    event_vecs, event_mask = jax.vmap(_pool_one)(z, salience)
    event_values = _clinear(event_vecs, val_Wr, val_Wi)
    event_keys = _clinear(event_vecs, key_Wr, key_Wi)
    valid = event_mask[:, :, None, None]
    new_keys = valid * event_keys + (1.0 - valid) * slot_keys
    new_values = valid * event_values + (1.0 - valid) * slot_values
    new_mask = jnp.minimum(slot_mask + event_mask, 1.0)
    mag = _cabs(z)
    rms = jnp.sqrt(jnp.mean(mag ** 2, axis=-1, keepdims=True) + 1e-8)
    zn = z / rms[..., None] * norm_gamma[None, None, :, None]
    q = _clinear(zn, qry_Wr, qry_Wi)
    scores = (jnp.einsum('bld,bsd->bls', q[..., 0], new_keys[..., 0]) + jnp.einsum('bld,bsd->bls', q[..., 1], new_keys[..., 1])) / np.sqrt(DIM)
    masked = scores + (new_mask[:, None, :] - 1.0) * 1e9
    vals, idx = jax.lax.top_k(masked, TOPK)
    w = jax.nn.softmax(vals, axis=-1)
    oh = jax.nn.one_hot(idx, S, dtype=w.dtype)
    w_s = jnp.einsum('blk,blks->bls', w, oh)
    retrieved = jnp.einsum('bls,bsdc->bldc', w_s, new_values)
    return retrieved, new_keys, new_values, new_mask, salience

def setup_inputs(seed: int = 0):
    key = jax.random.key(seed)
    ks = jax.random.split(key, 12)
    d = DIM
    sc = 1.0 / np.sqrt(d)
    return {
        'z': jax.random.normal(ks[0], (B, L, d, 2), jnp.float32),
        'slot_keys': jax.random.normal(ks[1], (B, S, d, 2), jnp.float32),
        'slot_values': jax.random.normal(ks[2], (B, S, d, 2), jnp.float32),
        'slot_mask': jnp.ones((B, S), jnp.float32),
        'sal_Wr': jax.random.normal(ks[3], (d, 1), jnp.float32) * sc,
        'sal_Wi': jax.random.normal(ks[4], (d, 1), jnp.float32) * sc,
        'score_bias': jnp.asarray(-1.0, jnp.float32),
        'novelty_scale': jnp.asarray(1.0, jnp.float32),
        'key_Wr': jax.random.normal(ks[5], (d, d), jnp.float32) * sc,
        'key_Wi': jax.random.normal(ks[6], (d, d), jnp.float32) * sc,
        'val_Wr': jax.random.normal(ks[7], (d, d), jnp.float32) * sc,
        'val_Wi': jax.random.normal(ks[8], (d, d), jnp.float32) * sc,
        'qry_Wr': jax.random.normal(ks[9], (d, d), jnp.float32) * sc,
        'qry_Wi': jax.random.normal(ks[10], (d, d), jnp.float32) * sc,
        'norm_gamma': jnp.ones((d,), jnp.float32),
    }

def reference(z, slot_keys, slot_values, slot_mask, sal_Wr, sal_Wi, score_bias, novelty_scale, key_Wr, key_Wi, val_Wr, val_Wi, qry_Wr, qry_Wi, norm_gamma):
    return _forward(z, slot_keys, slot_values, slot_mask, sal_Wr, sal_Wi, score_bias, novelty_scale, key_Wr, key_Wi, val_Wr, val_Wi, qry_Wr, qry_Wi, norm_gamma)

if __name__ == "__main__":
    import jax
    _d = setup_inputs()
    print(jax.jit(kernel)(*tuple(_d.values())))

</pallas_src>

<mosaic_0001>
module attributes {stable_mosaic.version = 14 : i64} {
  func.func @_k1_stats(%arg0: i32, %arg1: i32, %arg2: memref<1x512x768xf32, #tpu.memory_space<vmem>>, %arg3: memref<1x512x768xf32, #tpu.memory_space<vmem>>, %arg4: memref<768x1xf32, #tpu.memory_space<vmem>>, %arg5: memref<768x1xf32, #tpu.memory_space<vmem>>, %arg6: memref<1x512x1xf32, #tpu.memory_space<vmem>>, %arg7: memref<1x512x1xf32, #tpu.memory_space<vmem>>, %arg8: memref<1x512x1xf32, #tpu.memory_space<vmem>>) attributes {dimension_semantics = [#tpu.dimension_semantics<arbitrary>, #tpu.dimension_semantics<arbitrary>], iteration_bounds = array<i64: 4, 4>, scalar_prefetch = 0 : i64, scratch_operands = 0 : i64, tpu.core_type = #tpu.core_type<tc>, window_params = [{transform_indices = @transform_0, window_bounds = array<i64: 1, 512, 768>}, {transform_indices = @transform_1, window_bounds = array<i64: 1, 512, 768>}, {pipeline_mode = #tpu.pipeline_mode<synchronous>, transform_indices = @transform_2, window_bounds = array<i64: 768, 1>}, {pipeline_mode = #tpu.pipeline_mode<synchronous>, transform_indices = @transform_3, window_bounds = array<i64: 768, 1>}, {transform_indices = @transform_4, window_bounds = array<i64: 1, 512, 1>}, {transform_indices = @transform_5, window_bounds = array<i64: 1, 512, 1>}, {transform_indices = @transform_6, window_bounds = array<i64: 1, 512, 1>}]} {
    %get3A = arith.constant 0 : index
    %get3A_0 = arith.constant 0 : index
    %get3A_1 = arith.constant 0 : index
    %get3A_2 = vector.load %arg2[%get3A, %get3A_0, %get3A_1] : memref<1x512x768xf32, #tpu.memory_space<vmem>>, vector<1x512x768xf32>
    %get3A_3 = vector.shape_cast %get3A_2 : vector<1x512x768xf32> to vector<512x768xf32>
    %get3A_4 = arith.constant 0 : index
    %get3A_5 = arith.constant 0 : index
    %get3A_6 = arith.constant 0 : index
    %get3A_7 = vector.load %arg3[%get3A_4, %get3A_5, %get3A_6] : memref<1x512x768xf32, #tpu.memory_space<vmem>>, vector<1x512x768xf32>
    %get3A_8 = vector.shape_cast %get3A_7 : vector<1x512x768xf32> to vector<512x768xf32>
    %get3A_9 = arith.constant 0 : index
    %get3A_10 = arith.constant 0 : index
    %get3A_11 = vector.load %arg4[%get3A_9, %get3A_10] : memref<768x1xf32, #tpu.memory_space<vmem>>, vector<768x1xf32>
    %dot_general3A = arith.constant dense<0.000000e+00> : vector<512x1xf32>
    %dot_general3A_12 = tpu.matmul %get3A_3, %get3A_11, %dot_general3A {dimension_numbers = #tpu.dot_dimension_numbers<[1], [0], [0], [1], [0, 0, 1, 1], [], []>, transpose_lhs_hint = false} : vector<512x768xf32>, vector<768x1xf32>, vector<512x1xf32> -> vector<512x1xf32>
    %get3A_13 = arith.constant 0 : index
    %get3A_14 = arith.constant 0 : index
    %get3A_15 = vector.load %arg5[%get3A_13, %get3A_14] : memref<768x1xf32, #tpu.memory_space<vmem>>, vector<768x1xf32>
    %dot_general3A_16 = arith.constant dense<0.000000e+00> : vector<512x1xf32>
    %dot_general3A_17 = tpu.matmul %get3A_8, %get3A_15, %dot_general3A_16 {dimension_numbers = #tpu.dot_dimension_numbers<[1], [0], [0], [1], [0, 0, 1, 1], [], []>, transpose_lhs_hint = false} : vector<512x768xf32>, vector<768x1xf32>, vector<512x1xf32> -> vector<512x1xf32>
    %sub3A = arith.subf %dot_general3A_12, %dot_general3A_17 : vector<512x1xf32>
    %get3A_18 = arith.constant 0 : index
    %get3A_19 = arith.constant 0 : index
    %get3A_20 = vector.load %arg5[%get3A_18, %get3A_19] : memref<768x1xf32, #tpu.memory_space<vmem>>, vector<768x1xf32>
    %dot_general3A_21 = arith.constant dense<0.000000e+00> : vector<512x1xf32>
    %dot_general3A_22 = tpu.matmul %get3A_3, %get3A_20, %dot_general3A_21 {dimension_numbers = #tpu.dot_dimension_numbers<[1], [0], [0], [1], [0, 0, 1, 1], [], []>, transpose_lhs_hint = false} : vector<512x768xf32>, vector<768x1xf32>, vector<512x1xf32> -> vector<512x1xf32>
    %get3A_23 = arith.constant 0 : index
    %get3A_24 = arith.constant 0 : index
    %get3A_25 = vector.load %arg4[%get3A_23, %get3A_24] : memref<768x1xf32, #tpu.memory_space<vmem>>, vector<768x1xf32>
    %dot_general3A_26 = arith.constant dense<0.000000e+00> : vector<512x1xf32>
    %dot_general3A_27 = tpu.matmul %get3A_8, %get3A_25, %dot_general3A_26 {dimension_numbers = #tpu.dot_dimension_numbers<[1], [0], [0], [1], [0, 0, 1, 1], [], []>, transpose_lhs_hint = false} : vector<512x768xf32>, vector<768x1xf32>, vector<512x1xf32> -> vector<512x1xf32>
    %add3A = arith.addf %dot_general3A_22, %dot_general3A_27 : vector<512x1xf32>
    %mul3A = arith.mulf %sub3A, %sub3A : vector<512x1xf32>
    %mul3A_28 = arith.mulf %add3A, %add3A : vector<512x1xf32>
    %add3A_29 = arith.addf %mul3A, %mul3A_28 : vector<512x1xf32>
    %sqrt3A = math.sqrt %add3A_29 : vector<512x1xf32>
    %swap3A = arith.constant 0 : index
    %swap3A_30 = arith.constant 0 : index
    %swap3A_31 = arith.constant 0 : index
    %swap3A_32 = vector.load %arg6[%swap3A, %swap3A_30, %swap3A_31] : memref<1x512x1xf32, #tpu.memory_space<vmem>>, vector<1x512x1xf32>
    %swap3A_33 = vector.shape_cast %swap3A_32 : vector<1x512x1xf32> to vector<512x1xf32>
    %swap3A_34 = vector.shape_cast %sqrt3A : vector<512x1xf32> to vector<1x512x1xf32>
    tpu.vector_store %arg6[%swap3A, %swap3A_30, %swap3A_31], %swap3A_34 {strides = array<i32>} : memref<1x512x1xf32, #tpu.memory_space<vmem>>, vector<1x512x1xf32>,
    %mul3A_35 = arith.mulf %get3A_3, %get3A_3 : vector<512x768xf32>
    %mul3A_36 = arith.mulf %get3A_8, %get3A_8 : vector<512x768xf32>
    %add3A_37 = arith.addf %mul3A_35, %mul3A_36 : vector<512x768xf32>
    %sqrt3A_38 = math.sqrt %add3A_37 : vector<512x768xf32>
    %reduce_sum3A = arith.constant dense<0.000000e+00> : vector<512xf32>
    %reduce_sum3A_39 = vector.multi_reduction <add>, %sqrt3A_38, %reduce_sum3A [1] : vector<512x768xf32> to vector<512xf32>
    %broadcast_in_dim3A = vector.shape_cast %reduce_sum3A_39 : vector<512xf32> to vector<512x1xf32>
    %mul3A_40 = arith.constant 0.00130208337 : f32
    %mul3A_41 = vector.broadcast %mul3A_40 : f32 to vector<512x1xf32>
    %mul3A_42 = arith.mulf %broadcast_in_dim3A, %mul3A_41 : vector<512x1xf32>
    %swap3A_43 = arith.constant 0 : index
    %swap3A_44 = arith.constant 0 : index
    %swap3A_45 = arith.constant 0 : index
    %swap3A_46 = vector.load %arg7[%swap3A_43, %swap3A_44, %swap3A_45] : memref<1x512x1xf32, #tpu.memory_space<vmem>>, vector<1x512x1xf32>
    %swap3A_47 = vector.shape_cast %swap3A_46 : vector<1x512x1xf32> to vector<512x1xf32>
    %swap3A_48 = vector.shape_cast %mul3A_42 : vector<512x1xf32> to vector<1x512x1xf32>
    tpu.vector_store %arg7[%swap3A_43, %swap3A_44, %swap3A_45], %swap3A_48 {strides = array<i32>} : memref<1x512x1xf32, #tpu.memory_space<vmem>>, vector<1x512x1xf32>,
    %reduce_sum3A_49 = arith.constant dense<0.000000e+00> : vector<512xf32>
    %reduce_sum3A_50 = vector.multi_reduction <add>, %add3A_37, %reduce_sum3A_49 [1] : vector<512x768xf32> to vector<512xf32>
    %broadcast_in_dim3A_51 = vector.shape_cast %reduce_sum3A_50 : vector<512xf32> to vector<512x1xf32>
    %mul3A_52 = arith.constant 0.00130208337 : f32
    %mul3A_53 = vector.broadcast %mul3A_52 : f32 to vector<512x1xf32>
    %mul3A_54 = arith.mulf %broadcast_in_dim3A_51, %mul3A_53 : vector<512x1xf32>
    %add3A_55 = arith.constant 9.99999993E-9 : f32
    %add3A_56 = vector.broadcast %add3A_55 : f32 to vector<512x1xf32>
    %add3A_57 = arith.addf %mul3A_54, %add3A_56 : vector<512x1xf32>
    %sqrt3A_58 = math.sqrt %add3A_57 : vector<512x1xf32>
    %swap3A_59 = arith.constant 0 : index
    %swap3A_60 = arith.constant 0 : index
    %swap3A_61 = arith.constant 0 : index
    %swap3A_62 = vector.load %arg8[%swap3A_59, %swap3A_60, %swap3A_61] : memref<1x512x1xf32, #tpu.memory_space<vmem>>, vector<1x512x1xf32>
    %swap3A_63 = vector.shape_cast %swap3A_62 : vector<1x512x1xf32> to vector<512x1xf32>
    %swap3A_64 = vector.shape_cast %sqrt3A_58 : vector<512x1xf32> to vector<1x512x1xf32>
    tpu.vector_store %arg8[%swap3A_59, %swap3A_60, %swap3A_61], %swap3A_64 {strides = array<i32>} : memref<1x512x1xf32, #tpu.memory_space<vmem>>, vector<1x512x1xf32>,
    return
  }
  func.func @transform_0(%arg0: i32, %arg1: i32) -> (i32, i32, i32) {
    %c0_i32 = arith.constant 0 : i32
    %c0_i32_0 = arith.constant 0 : i32
    return %arg0, %arg1, %c0_i32 : i32, i32, i32
  }
  func.func @transform_1(%arg0: i32, %arg1: i32) -> (i32, i32, i32) {
    %c0_i32 = arith.constant 0 : i32
    %c0_i32_0 = arith.constant 0 : i32
    return %arg0, %arg1, %c0_i32 : i32, i32, i32
  }
  func.func @transform_2(%arg0: i32, %arg1: i32) -> (i32, i32) {
    %c0_i32 = arith.constant 0 : i32
    %c0_i32_0 = arith.constant 0 : i32
    %c0_i32_1 = arith.constant 0 : i32
    return %c0_i32, %c0_i32_0 : i32, i32
  }
  func.func @transform_3(%arg0: i32, %arg1: i32) -> (i32, i32) {
    %c0_i32 = arith.constant 0 : i32
    %c0_i32_0 = arith.constant 0 : i32
    %c0_i32_1 = arith.constant 0 : i32
    return %c0_i32, %c0_i32_0 : i32, i32
  }
  func.func @transform_4(%arg0: i32, %arg1: i32) -> (i32, i32, i32) {
    %c0_i32 = arith.constant 0 : i32
    %c0_i32_0 = arith.constant 0 : i32
    return %arg0, %arg1, %c0_i32 : i32, i32, i32
  }
  func.func @transform_5(%arg0: i32, %arg1: i32) -> (i32, i32, i32) {
    %c0_i32 = arith.constant 0 : i32
    %c0_i32_0 = arith.constant 0 : i32
    return %arg0, %arg1, %c0_i32 : i32, i32, i32
  }
  func.func @transform_6(%arg0: i32, %arg1: i32) -> (i32, i32, i32) {
    %c0_i32 = arith.constant 0 : i32
    %c0_i32_0 = arith.constant 0 : i32
    return %arg0, %arg1, %c0_i32 : i32, i32, i32
  }
}

module attributes {stable_mosaic.version = 14 : i64} {
  func.func @_k2_segment(%arg0: i32, %arg1: memref<1x2048x1xf32, #tpu.memory_space<vmem>>, %arg2: memref<1x2048x1xf32, #tpu.memory_space<vmem>>, %arg3: memref<1x2048x1xf32, #tpu.memory_space<vmem>>, %arg4: memref<1x1xf32, #tpu.memory_space<vmem>>, %arg5: memref<1x1xf32, #tpu.memory_space<vmem>>, %arg6: memref<1x1x2048xf32, #tpu.memory_space<vmem>>, %arg7: memref<1x1x2048xf32, #tpu.memory_space<vmem>>, %arg8: memref<1x1x2048xf32, #tpu.memory_space<vmem>>) attributes {dimension_semantics = [#tpu.dimension_semantics<arbitrary>], iteration_bounds = array<i64: 4>, scalar_prefetch = 0 : i64, scratch_operands = 0 : i64, tpu.core_type = #tpu.core_type<tc>, window_params = [{transform_indices = @transform_0, window_bounds = array<i64: 1, 2048, 1>}, {transform_indices = @transform_1, window_bounds = array<i64: 1, 2048, 1>}, {transform_indices = @transform_2, window_bounds = array<i64: 1, 2048, 1>}, {pipeline_mode = #tpu.pipeline_mode<synchronous>, transform_indices = @transform_3, window_bounds = array<i64: 1, 1>}, {pipeline_mode = #tpu.pipeline_mode<synchronous>, transform_indices = @transform_4, window_bounds = array<i64: 1, 1>}, {transform_indices = @transform_5, window_bounds = array<i64: 1, 1, 2048>}, {transform_indices = @transform_6, window_bounds = array<i64: 1, 1, 2048>}, {transform_indices = @transform_7, window_bounds = array<i64: 1, 1, 2048>}]} {
    %iota3A = tpu.iota {dimensions = array<i32: 1>} : vector<1x2048xi32>
    %broadcast_in_dim3A = arith.constant 1.000000e+00 : f32
    %broadcast_in_dim3A_0 = vector.broadcast %broadcast_in_dim3A : f32 to vector<1x1xf32>
    %get3A = arith.constant 0 : index
    %get3A_1 = arith.constant 0 : index
    %get3A_2 = arith.constant 0 : index
    %get3A_3 = vector.load %arg2[%get3A, %get3A_1, %get3A_2] : memref<1x2048x1xf32, #tpu.memory_space<vmem>>, vector<1x2048x1xf32>
    %get3A_4 = vector.shape_cast %get3A_3 : vector<1x2048x1xf32> to vector<2048x1xf32>
    %dot_general3A = arith.constant dense<0.000000e+00> : vector<1x2048xf32>
    %dot_general3A_5 = tpu.matmul %broadcast_in_dim3A_0, %get3A_4, %dot_general3A {dimension_numbers = #tpu.dot_dimension_numbers<[1], [1], [0], [0], [0, 0, 1, 0], [], []>, precision = #tpu.contract_precision<fp32>, transpose_lhs_hint = false} : vector<1x1xf32>, vector<2048x1xf32>, vector<1x2048xf32> -> vector<1x2048xf32>
    %broadcast_in_dim3A_6 = arith.constant 1.000000e+00 : f32
    %broadcast_in_dim3A_7 = vector.broadcast %broadcast_in_dim3A_6 : f32 to vector<1x1xf32>
    %get3A_8 = arith.constant 0 : index
    %get3A_9 = arith.constant 0 : index
    %get3A_10 = arith.constant 0 : index
    %get3A_11 = vector.load %arg3[%get3A_8, %get3A_9, %get3A_10] : memref<1x2048x1xf32, #tpu.memory_space<vmem>>, vector<1x2048x1xf32>
    %get3A_12 = vector.shape_cast %get3A_11 : vector<1x2048x1xf32> to vector<2048x1xf32>
    %dot_general3A_13 = arith.constant dense<0.000000e+00> : vector<1x2048xf32>
    %dot_general3A_14 = tpu.matmul %broadcast_in_dim3A_7, %get3A_12, %dot_general3A_13 {dimension_numbers = #tpu.dot_dimension_numbers<[1], [1], [0], [0], [0, 0, 1, 0], [], []>, precision = #tpu.contract_precision<fp32>, transpose_lhs_hint = false} : vector<1x1xf32>, vector<2048x1xf32>, vector<1x2048xf32> -> vector<1x2048xf32>
    %sub3A = arith.subf %dot_general3A_5, %dot_general3A_14 : vector<1x2048xf32>
    %get3A_15 = arith.constant 0 : index
    %get3A_16 = arith.constant 0 : index
    %get3A_17 = vector.load %arg5[%get3A_15, %get3A_16] : memref<1x1xf32, #tpu.memory_space<vmem>>, vector<1x1xf32>
    %get3A_18 = vector.extract %get3A_17[0, 0] : f32 from vector<1x1xf32>
    %mul3A = vector.broadcast %get3A_18 : f32 to vector<1x2048xf32>
    %mul3A_19 = arith.mulf %sub3A, %mul3A : vector<1x2048xf32>
    %broadcast_in_dim3A_20 = arith.constant 1.000000e+00 : f32
    %broadcast_in_dim3A_21 = vector.broadcast %broadcast_in_dim3A_20 : f32 to vector<1x1xf32>
    %get3A_22 = arith.constant 0 : index
    %get3A_23 = arith.constant 0 : index
    %get3A_24 = arith.constant 0 : index
    %get3A_25 = vector.load %arg1[%get3A_22, %get3A_23, %get3A_24] : memref<1x2048x1xf32, #tpu.memory_space<vmem>>, vector<1x2048x1xf32>
    %get3A_26 = vector.shape_cast %get3A_25 : vector<1x2048x1xf32> to vector<2048x1xf32>
    %dot_general3A_27 = arith.constant dense<0.000000e+00> : vector<1x2048xf32>
    %dot_general3A_28 = tpu.matmul %broadcast_in_dim3A_21, %get3A_26, %dot_general3A_27 {dimension_numbers = #tpu.dot_dimension_numbers<[1], [1], [0], [0], [0, 0, 1, 0], [], []>, precision = #tpu.contract_precision<fp32>, transpose_lhs_hint = false} : vector<1x1xf32>, vector<2048x1xf32>, vector<1x2048xf32> -> vector<1x2048xf32>
    %add3A = arith.addf %dot_general3A_28, %mul3A_19 : vector<1x2048xf32>
    %get3A_29 = arith.constant 0 : index
    %get3A_30 = arith.constant 0 : index
    %get3A_31 = vector.load %arg4[%get3A_29, %get3A_30] : memref<1x1xf32, #tpu.memory_space<vmem>>, vector<1x1xf32>
    %get3A_32 = vector.extract %get3A_31[0, 0] : f32 from vector<1x1xf32>
    %add3A_33 = vector.broadcast %get3A_32 : f32 to vector<1x2048xf32>
    %add3A_34 = arith.addf %add3A, %add3A_33 : vector<1x2048xf32>
    %logistic3A = arith.negf %add3A_34 : vector<1x2048xf32>
    %logistic3A_35 = math.exp %logistic3A : vector<1x2048xf32>
    %logistic3A_36 = arith.constant 1.000000e+00 : f32
    %logistic3A_37 = vector.broadcast %logistic3A_36 : f32 to vector<1x2048xf32>
    %logistic3A_38 = arith.addf %logistic3A_37, %logistic3A_35 : vector<1x2048xf32>
    %logistic3A_39 = arith.divf %logistic3A_37, %logistic3A_38 : vector<1x2048xf32>
    %swap3A = arith.constant 0 : index
    %swap3A_40 = arith.constant 0 : index
    %swap3A_41 = arith.constant 0 : index
    %swap3A_42 = vector.load %arg6[%swap3A, %swap3A_40, %swap3A_41] : memref<1x1x2048xf32, #tpu.memory_space<vmem>>, vector<1x1x2048xf32>
    %swap3A_43 = vector.shape_cast %swap3A_42 : vector<1x1x2048xf32> to vector<1x2048xf32>
    %swap3A_44 = vector.shape_cast %logistic3A_39 : vector<1x2048xf32> to vector<1x1x2048xf32>
    tpu.vector_store %arg6[%swap3A, %swap3A_40, %swap3A_41], %swap3A_44 {strides = array<i32>} : memref<1x1x2048xf32, #tpu.memory_space<vmem>>, vector<1x1x2048xf32>,
    %gt3A = arith.constant 5.000000e-01 : f32
    %gt3A_45 = vector.broadcast %gt3A : f32 to vector<1x2048xf32>
    %gt3A_46 = arith.cmpf ogt, %logistic3A_39, %gt3A_45 : vector<1x2048xf32>
    %convert_element_type3A = arith.extui %gt3A_46 : vector<1x2048xi1> to vector<1x2048xi32>
    %convert_element_type3A_47 = arith.sitofp %convert_element_type3A : vector<1x2048xi32> to vector<1x2048xf32>
    %ge3A = arith.constant 1 : i32
    %ge3A_48 = vector.broadcast %ge3A : i32 to vector<1x2048xi32>
    %ge3A_49 = arith.cmpi sge, %iota3A, %ge3A_48 : vector<1x2048xi32>
    %slice3A = vector.extract_strided_slice %convert_element_type3A_47 {offsets = [0, 2047], sizes = [1, 1], strides = [1, 1]} : vector<1x2048xf32> to vector<1x1xf32>
    %slice3A_50 = vector.extract_strided_slice %convert_element_type3A_47 {offsets = [0, 0], sizes = [1, 2047], strides = [1, 1]} : vector<1x2048xf32> to vector<1x2047xf32>
    %concatenate3A = tpu.concatenate %slice3A, %slice3A_50 in 1 : vector<1x1xf32>, vector<1x2047xf32> -> vector<1x2048xf32>
    %jit3A = arith.constant 0.000000e+00 : f32
    %broadcast_in_dim3A_51 = vector.broadcast %jit3A : f32 to vector<1x2048xf32>
    %select_n3A = arith.select %ge3A_49, %concatenate3A, %broadcast_in_dim3A_51 : vector<1x2048xi1>, vector<1x2048xf32>
    %sub3A_52 = arith.constant 1.000000e+00 : f32
    %sub3A_53 = vector.broadcast %sub3A_52 : f32 to vector<1x2048xf32>
    %sub3A_54 = arith.subf %sub3A_53, %select_n3A : vector<1x2048xf32>
    %jit3A_55 = arith.constant 0.000000e+00 : f32
    %broadcast_in_dim3A_56 = vector.broadcast %jit3A_55 : f32 to vector<1x2048xf32>
    %select_n3A_57 = arith.select %gt3A_46, %sub3A_54, %broadcast_in_dim3A_56 : vector<1x2048xi1>, vector<1x2048xf32>
    %ge3A_58 = arith.constant 1 : i32
    %ge3A_59 = vector.broadcast %ge3A_58 : i32 to vector<1x2048xi32>
    %ge3A_60 = arith.cmpi sge, %iota3A, %ge3A_59 : vector<1x2048xi32>
    %slice3A_61 = vector.extract_strided_slice %select_n3A_57 {offsets = [0, 2047], sizes = [1, 1], strides = [1, 1]} : vector<1x2048xf32> to vector<1x1xf32>
    %slice3A_62 = vector.extract_strided_slice %select_n3A_57 {offsets = [0, 0], sizes = [1, 2047], strides = [1, 1]} : vector<1x2048xf32> to vector<1x2047xf32>
    %concatenate3A_63 = tpu.concatenate %slice3A_61, %slice3A_62 in 1 : vector<1x1xf32>, vector<1x2047xf32> -> vector<1x2048xf32>
    %jit3A_64 = arith.constant 0.000000e+00 : f32
    %broadcast_in_dim3A_65 = vector.broadcast %jit3A_64 : f32 to vector<1x2048xf32>
    %select_n3A_66 = arith.select %ge3A_60, %concatenate3A_63, %broadcast_in_dim3A_65 : vector<1x2048xi1>, vector<1x2048xf32>
    %add3A_67 = arith.addf %select_n3A_57, %select_n3A_66 : vector<1x2048xf32>
    %ge3A_68 = arith.constant 2 : i32
    %ge3A_69 = vector.broadcast %ge3A_68 : i32 to vector<1x2048xi32>
    %ge3A_70 = arith.cmpi sge, %iota3A, %ge3A_69 : vector<1x2048xi32>
    %slice3A_71 = vector.extract_strided_slice %add3A_67 {offsets = [0, 2046], sizes = [1, 2], strides = [1, 1]} : vector<1x2048xf32> to vector<1x2xf32>
    %slice3A_72 = vector.extract_strided_slice %add3A_67 {offsets = [0, 0], sizes = [1, 2046], strides = [1, 1]} : vector<1x2048xf32> to vector<1x2046xf32>
    %concatenate3A_73 = tpu.concatenate %slice3A_71, %slice3A_72 in 1 : vector<1x2xf32>, vector<1x2046xf32> -> vector<1x2048xf32>
    %jit3A_74 = arith.constant 0.000000e+00 : f32
    %broadcast_in_dim3A_75 = vector.broadcast %jit3A_74 : f32 to vector<1x2048xf32>
    %select_n3A_76 = arith.select %ge3A_70, %concatenate3A_73, %broadcast_in_dim3A_75 : vector<1x2048xi1>, vector<1x2048xf32>
    %add3A_77 = arith.addf %add3A_67, %select_n3A_76 : vector<1x2048xf32>
    %ge3A_78 = arith.constant 4 : i32
    %ge3A_79 = vector.broadcast %ge3A_78 : i32 to vector<1x2048xi32>
    %ge3A_80 = arith.cmpi sge, %iota3A, %ge3A_79 : vector<1x2048xi32>
    %slice3A_81 = vector.extract_strided_slice %add3A_77 {offsets = [0, 2044], sizes = [1, 4], strides = [1, 1]} : vector<1x2048xf32> to vector<1x4xf32>
    %slice3A_82 = vector.extract_strided_slice %add3A_77 {offsets = [0, 0], sizes = [1, 2044], strides = [1, 1]} : vector<1x2048xf32> to vector<1x2044xf32>
    %concatenate3A_83 = tpu.concatenate %slice3A_81, %slice3A_82 in 1 : vector<1x4xf32>, vector<1x2044xf32> -> vector<1x2048xf32>
    %jit3A_84 = arith.constant 0.000000e+00 : f32
    %broadcast_in_dim3A_85 = vector.broadcast %jit3A_84 : f32 to vector<1x2048xf32>
    %select_n3A_86 = arith.select %ge3A_80, %concatenate3A_83, %broadcast_in_dim3A_85 : vector<1x2048xi1>, vector<1x2048xf32>
    %add3A_87 = arith.addf %add3A_77, %select_n3A_86 : vector<1x2048xf32>
    %ge3A_88 = arith.constant 8 : i32
    %ge3A_89 = vector.broadcast %ge3A_88 : i32 to vector<1x2048xi32>
    %ge3A_90 = arith.cmpi sge, %iota3A, %ge3A_89 : vector<1x2048xi32>
    %slice3A_91 = vector.extract_strided_slice %add3A_87 {offsets = [0, 2040], sizes = [1, 8], strides = [1, 1]} : vector<1x2048xf32> to vector<1x8xf32>
    %slice3A_92 = vector.extract_strided_slice %add3A_87 {offsets = [0, 0], sizes = [1, 2040], strides = [1, 1]} : vector<1x2048xf32> to vector<1x2040xf32>
    %concatenate3A_93 = tpu.concatenate %slice3A_91, %slice3A_92 in 1 : vector<1x8xf32>, vector<1x2040xf32> -> vector<1x2048xf32>
    %jit3A_94 = arith.constant 0.000000e+00 : f32
    %broadcast_in_dim3A_95 = vector.broadcast %jit3A_94 : f32 to vector<1x2048xf32>
    %select_n3A_96 = arith.select %ge3A_90, %concatenate3A_93, %broadcast_in_dim3A_95 : vector<1x2048xi1>, vector<1x2048xf32>
    %add3A_97 = arith.addf %add3A_87, %select_n3A_96 : vector<1x2048xf32>
    %ge3A_98 = arith.constant 16 : i32
    %ge3A_99 = vector.broadcast %ge3A_98 : i32 to vector<1x2048xi32>
    %ge3A_100 = arith.cmpi sge, %iota3A, %ge3A_99 : vector<1x2048xi32>
    %slice3A_101 = vector.extract_strided_slice %add3A_97 {offsets = [0, 2032], sizes = [1, 16], strides = [1, 1]} : vector<1x2048xf32> to vector<1x16xf32>
    %slice3A_102 = vector.extract_strided_slice %add3A_97 {offsets = [0, 0], sizes = [1, 2032], strides = [1, 1]} : vector<1x2048xf32> to vector<1x2032xf32>
    %concatenate3A_103 = tpu.concatenate %slice3A_101, %slice3A_102 in 1 : vector<1x16xf32>, vector<1x2032xf32> -> vector<1x2048xf32>
    %jit3A_104 = arith.constant 0.000000e+00 : f32
    %broadcast_in_dim3A_105 = vector.broadcast %jit3A_104 : f32 to vector<1x2048xf32>
    %select_n3A_106 = arith.select %ge3A_100, %concatenate3A_103, %broadcast_in_dim3A_105 : vector<1x2048xi1>, vector<1x2048xf32>
    %add3A_107 = arith.addf %add3A_97, %select_n3A_106 : vector<1x2048xf32>
    %ge3A_108 = arith.constant 32 : i32
    %ge3A_109 = vector.broadcast %ge3A_108 : i32 to vector<1x2048xi32>
    %ge3A_110 = arith.cmpi sge, %iota3A, %ge3A_109 : vector<1x2048xi32>
    %slice3A_111 = vector.extract_strided_slice %add3A_107 {offsets = [0, 2016], sizes = [1, 32], strides = [1, 1]} : vector<1x2048xf32> to vector<1x32xf32>
    %slice3A_112 = vector.extract_strided_slice %add3A_107 {offsets = [0, 0], sizes = [1, 2016], strides = [1, 1]} : vector<1x2048xf32> to vector<1x2016xf32>
    %concatenate3A_113 = tpu.concatenate %slice3A_111, %slice3A_112 in 1 : vector<1x32xf32>, vector<1x2016xf32> -> vector<1x2048xf32>
    %jit3A_114 = arith.constant 0.000000e+00 : f32
    %broadcast_in_dim3A_115 = vector.broadcast %jit3A_114 : f32 to vector<1x2048xf32>
    %select_n3A_116 = arith.select %ge3A_110, %concatenate3A_113, %broadcast_in_dim3A_115 : vector<1x2048xi1>, vector<1x2048xf32>
    %add3A_117 = arith.addf %add3A_107, %select_n3A_116 : vector<1x2048xf32>
    %ge3A_118 = arith.constant 64 : i32
    %ge3A_119 = vector.broadcast %ge3A_118 : i32 to vector<1x2048xi32>
    %ge3A_120 = arith.cmpi sge, %iota3A, %ge3A_119 : vector<1x2048xi32>
    %slice3A_121 = vector.extract_strided_slice %add3A_117 {offsets = [0, 1984], sizes = [1, 64], strides = [1, 1]} : vector<1x2048xf32> to vector<1x64xf32>
    %slice3A_122 = vector.extract_strided_slice %add3A_117 {offsets = [0, 0], sizes = [1, 1984], strides = [1, 1]} : vector<1x2048xf32> to vector<1x1984xf32>
    %concatenate3A_123 = tpu.concatenate %slice3A_121, %slice3A_122 in 1 : vector<1x64xf32>, vector<1x1984xf32> -> vector<1x2048xf32>
    %jit3A_124 = arith.constant 0.000000e+00 : f32
    %broadcast_in_dim3A_125 = vector.broadcast %jit3A_124 : f32 to vector<1x2048xf32>
    %select_n3A_126 = arith.select %ge3A_120, %concatenate3A_123, %broadcast_in_dim3A_125 : vector<1x2048xi1>, vector<1x2048xf32>
    %add3A_127 = arith.addf %add3A_117, %select_n3A_126 : vector<1x2048xf32>
    %ge3A_128 = arith.constant 128 : i32
    %ge3A_129 = vector.broadcast %ge3A_128 : i32 to vector<1x2048xi32>
    %ge3A_130 = arith.cmpi sge, %iota3A, %ge3A_129 : vector<1x2048xi32>
    %slice3A_131 = vector.extract_strided_slice %add3A_127 {offsets = [0, 1920], sizes = [1, 128], strides = [1, 1]} : vector<1x2048xf32> to vector<1x128xf32>
    %slice3A_132 = vector.extract_strided_slice %add3A_127 {offsets = [0, 0], sizes = [1, 1920], strides = [1, 1]} : vector<1x2048xf32> to vector<1x1920xf32>
    %concatenate3A_133 = tpu.concatenate %slice3A_131, %slice3A_132 in 1 : vector<1x128xf32>, vector<1x1920xf32> -> vector<1x2048xf32>
    %jit3A_134 = arith.constant 0.000000e+00 : f32
    %broadcast_in_dim3A_135 = vector.broadcast %jit3A_134 : f32 to vector<1x2048xf32>
    %select_n3A_136 = arith.select %ge3A_130, %concatenate3A_133, %broadcast_in_dim3A_135 : vector<1x2048xi1>, vector<1x2048xf32>
    %add3A_137 = arith.addf %add3A_127, %select_n3A_136 : vector<1x2048xf32>
    %ge3A_138 = arith.constant 256 : i32
    %ge3A_139 = vector.broadcast %ge3A_138 : i32 to vector<1x2048xi32>
    %ge3A_140 = arith.cmpi sge, %iota3A, %ge3A_139 : vector<1x2048xi32>
    %slice3A_141 = vector.extract_strided_slice %add3A_137 {offsets = [0, 1792], sizes = [1, 256], strides = [1, 1]} : vector<1x2048xf32> to vector<1x256xf32>
    %slice3A_142 = vector.extract_strided_slice %add3A_137 {offsets = [0, 0], sizes = [1, 1792], strides = [1, 1]} : vector<1x2048xf32> to vector<1x1792xf32>
    %concatenate3A_143 = tpu.concatenate %slice3A_141, %slice3A_142 in 1 : vector<1x256xf32>, vector<1x1792xf32> -> vector<1x2048xf32>
    %jit3A_144 = arith.constant 0.000000e+00 : f32
    %broadcast_in_dim3A_145 = vector.broadcast %jit3A_144 : f32 to vector<1x2048xf32>
    %select_n3A_146 = arith.select %ge3A_140, %concatenate3A_143, %broadcast_in_dim3A_145 : vector<1x2048xi1>, vector<1x2048xf32>
    %add3A_147 = arith.addf %add3A_137, %select_n3A_146 : vector<1x2048xf32>
    %ge3A_148 = arith.constant 512 : i32
    %ge3A_149 = vector.broadcast %ge3A_148 : i32 to vector<1x2048xi32>
    %ge3A_150 = arith.cmpi sge, %iota3A, %ge3A_149 : vector<1x2048xi32>
    %slice3A_151 = vector.extract_strided_slice %add3A_147 {offsets = [0, 1536], sizes = [1, 512], strides = [1, 1]} : vector<1x2048xf32> to vector<1x512xf32>
    %slice3A_152 = vector.extract_strided_slice %add3A_147 {offsets = [0, 0], sizes = [1, 1536], strides = [1, 1]} : vector<1x2048xf32> to vector<1x1536xf32>
    %concatenate3A_153 = tpu.concatenate %slice3A_151, %slice3A_152 in 1 : vector<1x512xf32>, vector<1x1536xf32> -> vector<1x2048xf32>
    %jit3A_154 = arith.constant 0.000000e+00 : f32
    %broadcast_in_dim3A_155 = vector.broadcast %jit3A_154 : f32 to vector<1x2048xf32>
    %select_n3A_156 = arith.select %ge3A_150, %concatenate3A_153, %broadcast_in_dim3A_155 : vector<1x2048xi1>, vector<1x2048xf32>
    %add3A_157 = arith.addf %add3A_147, %select_n3A_156 : vector<1x2048xf32>
    %ge3A_158 = arith.constant 1024 : i32
    %ge3A_159 = vector.broadcast %ge3A_158 : i32 to vector<1x2048xi32>
    %ge3A_160 = arith.cmpi sge, %iota3A, %ge3A_159 : vector<1x2048xi32>
    %slice3A_161 = vector.extract_strided_slice %add3A_157 {offsets = [0, 1024], sizes = [1, 1024], strides = [1, 1]} : vector<1x2048xf32> to vector<1x1024xf32>
    %slice3A_162 = vector.extract_strided_slice %add3A_157 {offsets = [0, 0], sizes = [1, 1024], strides = [1, 1]} : vector<1x2048xf32> to vector<1x1024xf32>
    %concatenate3A_163 = tpu.concatenate %slice3A_161, %slice3A_162 in 1 : vector<1x1024xf32>, vector<1x1024xf32> -> vector<1x2048xf32>
    %jit3A_164 = arith.constant 0.000000e+00 : f32
    %broadcast_in_dim3A_165 = vector.broadcast %jit3A_164 : f32 to vector<1x2048xf32>
    %select_n3A_166 = arith.select %ge3A_160, %concatenate3A_163, %broadcast_in_dim3A_165 : vector<1x2048xi1>, vector<1x2048xf32>
    %add3A_167 = arith.addf %add3A_157, %select_n3A_166 : vector<1x2048xf32>
    %sub3A_168 = arith.constant 1.000000e+00 : f32
    %sub3A_169 = vector.broadcast %sub3A_168 : f32 to vector<1x2048xf32>
    %sub3A_170 = arith.subf %add3A_167, %sub3A_169 : vector<1x2048xf32>
    %min3A = arith.constant 3.200000e+01 : f32
    %min3A_171 = vector.broadcast %min3A : f32 to vector<1x2048xf32>
    %min3A_172 = arith.minimumf %sub3A_170, %min3A_171 : vector<1x2048xf32>
    %jit3A_173 = arith.constant 3.200000e+01 : f32
    %broadcast_in_dim3A_174 = vector.broadcast %jit3A_173 : f32 to vector<1x2048xf32>
    %select_n3A_175 = arith.select %gt3A_46, %min3A_172, %broadcast_in_dim3A_174 : vector<1x2048xi1>, vector<1x2048xf32>
    %swap3A_176 = arith.constant 0 : index
    %swap3A_177 = arith.constant 0 : index
    %swap3A_178 = arith.constant 0 : index
    %swap3A_179 = vector.load %arg7[%swap3A_176, %swap3A_177, %swap3A_178] : memref<1x1x2048xf32, #tpu.memory_space<vmem>>, vector<1x1x2048xf32>
    %swap3A_180 = vector.shape_cast %swap3A_179 : vector<1x1x2048xf32> to vector<1x2048xf32>
    %swap3A_181 = vector.shape_cast %select_n3A_175 : vector<1x2048xf32> to vector<1x1x2048xf32>
    tpu.vector_store %arg7[%swap3A_176, %swap3A_177, %swap3A_178], %swap3A_181 {strides = array<i32>} : memref<1x1x2048xf32, #tpu.memory_space<vmem>>, vector<1x1x2048xf32>,
    %jit3A_182 = arith.constant 0.000000e+00 : f32
    %broadcast_in_dim3A_183 = vector.broadcast %jit3A_182 : f32 to vector<1x2048xf32>
    %select_n3A_184 = arith.select %gt3A_46, %logistic3A_39, %broadcast_in_dim3A_183 : vector<1x2048xi1>, vector<1x2048xf32>
    %swap3A_185 = arith.constant 0 : index
    %swap3A_186 = arith.constant 0 : index
    %swap3A_187 = arith.constant 0 : index
    %swap3A_188 = vector.load %arg8[%swap3A_185, %swap3A_186, %swap3A_187] : memref<1x1x2048xf32, #tpu.memory_space<vmem>>, vector<1x1x2048xf32>
    %swap3A_189 = vector.shape_cast %swap3A_188 : vector<1x1x2048xf32> to vector<1x2048xf32>
    %swap3A_190 = vector.shape_cast %select_n3A_184 : vector<1x2048xf32> to vector<1x1x2048xf32>
    tpu.vector_store %arg8[%swap3A_185, %swap3A_186, %swap3A_187], %swap3A_190 {strides = array<i32>} : memref<1x1x2048xf32, #tpu.memory_space<vmem>>, vector<1x1x2048xf32>,
    return
  }
  func.func @transform_0(%arg0: i32) -> (i32, i32, i32) {
    %c0_i32 = arith.constant 0 : i32
    %c0_i32_0 = arith.constant 0 : i32
    %c0_i32_1 = arith.constant 0 : i32
    return %arg0, %c0_i32, %c0_i32_0 : i32, i32, i32
  }
  func.func @transform_1(%arg0: i32) -> (i32, i32, i32) {
    %c0_i32 = arith.constant 0 : i32
    %c0_i32_0 = arith.constant 0 : i32
    %c0_i32_1 = arith.constant 0 : i32
    return %arg0, %c0_i32, %c0_i32_0 : i32, i32, i32
  }
  func.func @transform_2(%arg0: i32) -> (i32, i32, i32) {
    %c0_i32 = arith.constant 0 : i32
    %c0_i32_0 = arith.constant 0 : i32
    %c0_i32_1 = arith.constant 0 : i32
    return %arg0, %c0_i32, %c0_i32_0 : i32, i32, i32
  }
  func.func @transform_3(%arg0: i32) -> (i32, i32) {
    %c0_i32 = arith.constant 0 : i32
    %c0_i32_0 = arith.constant 0 : i32
    %c0_i32_1 = arith.constant 0 : i32
    return %c0_i32, %c0_i32_0 : i32, i32
  }
  func.func @transform_4(%arg0: i32) -> (i32, i32) {
    %c0_i32 = arith.constant 0 : i32
    %c0_i32_0 = arith.constant 0 : i32
    %c0_i32_1 = arith.constant 0 : i32
    return %c0_i32, %c0_i32_0 : i32, i32
  }
  func.func @transform_5(%arg0: i32) -> (i32, i32, i32) {
    %c0_i32 = arith.constant 0 : i32
    %c0_i32_0 = arith.constant 0 : i32
    %c0_i32_1 = arith.constant 0 : i32
    return %arg0, %c0_i32, %c0_i32_0 : i32, i32, i32
  }
  func.func @transform_6(%arg0: i32) -> (i32, i32, i32) {
    %c0_i32 = arith.constant 0 : i32
    %c0_i32_0 = arith.constant 0 : i32
    %c0_i32_1 = arith.constant 0 : i32
    return %arg0, %c0_i32, %c0_i32_0 : i32, i32, i32
  }
  func.func @transform_7(%arg0: i32) -> (i32, i32, i32) {
    %c0_i32 = arith.constant 0 : i32
    %c0_i32_0 = arith.constant 0 : i32
    %c0_i32_1 = arith.constant 0 : i32
    return %arg0, %c0_i32, %c0_i32_0 : i32, i32, i32
  }
}

module attributes {stable_mosaic.version = 14 : i64} {
  func.func @_k3_pool(%arg0: i32, %arg1: i32, %arg2: memref<1x512x768xf32, #tpu.memory_space<vmem>>, %arg3: memref<1x512x768xf32, #tpu.memory_space<vmem>>, %arg4: memref<1x1x512xf32, #tpu.memory_space<vmem>>, %arg5: memref<1x1x512xf32, #tpu.memory_space<vmem>>, %arg6: memref<1x32x768xf32, #tpu.memory_space<vmem>>, %arg7: memref<1x32x768xf32, #tpu.memory_space<vmem>>, %arg8: memref<1x32x1xf32, #tpu.memory_space<vmem>>, %arg9: memref<33x768xf32, #tpu.memory_space<vmem>>, %arg10: memref<33x768xf32, #tpu.memory_space<vmem>>, %arg11: memref<33x2xf32, #tpu.memory_space<vmem>>) attributes {dimension_semantics = [#tpu.dimension_semantics<arbitrary>, #tpu.dimension_semantics<arbitrary>], iteration_bounds = array<i64: 4, 4>, scalar_prefetch = 0 : i64, scratch_operands = 3 : i64, tpu.core_type = #tpu.core_type<tc>, window_params = [{transform_indices = @transform_0, window_bounds = array<i64: 1, 512, 768>}, {transform_indices = @transform_1, window_bounds = array<i64: 1, 512, 768>}, {transform_indices = @transform_2, window_bounds = array<i64: 1, 1, 512>}, {transform_indices = @transform_3, window_bounds = array<i64: 1, 1, 512>}, {transform_indices = @transform_4, window_bounds = array<i64: 1, 32, 768>}, {transform_indices = @transform_5, window_bounds = array<i64: 1, 32, 768>}, {transform_indices = @transform_6, window_bounds = array<i64: 1, 32, 1>}]} {
    %eq3A = arith.constant 0 : i32
    %eq3A_0 = arith.cmpi eq, %arg1, %eq3A : i32
    %convert_element_type3A = arith.extui %eq3A_0 : i1 to i32
    %cond3A = arith.constant 0 : i32
    %cond3A_1 = arith.cmpi ne, %convert_element_type3A, %cond3A : i32
    scf.if %cond3A_1 {
      %broadcast_in_dim3A_65 = arith.constant 0.000000e+00 : f32
      %broadcast_in_dim3A_66 = vector.broadcast %broadcast_in_dim3A_65 : f32 to vector<33x768xf32>
      %swap3A_67 = arith.constant 0 : index
      %swap3A_68 = arith.constant 0 : index
      %swap3A_69 = vector.load %arg9[%swap3A_67, %swap3A_68] : memref<33x768xf32, #tpu.memory_space<vmem>>, vector<33x768xf32>
      tpu.vector_store %arg9[%swap3A_67, %swap3A_68], %broadcast_in_dim3A_66 {strides = array<i32>} : memref<33x768xf32, #tpu.memory_space<vmem>>, vector<33x768xf32>,
      %broadcast_in_dim3A_70 = arith.constant 0.000000e+00 : f32
      %broadcast_in_dim3A_71 = vector.broadcast %broadcast_in_dim3A_70 : f32 to vector<33x768xf32>
      %swap3A_72 = arith.constant 0 : index
      %swap3A_73 = arith.constant 0 : index
      %swap3A_74 = vector.load %arg10[%swap3A_72, %swap3A_73] : memref<33x768xf32, #tpu.memory_space<vmem>>, vector<33x768xf32>
      tpu.vector_store %arg10[%swap3A_72, %swap3A_73], %broadcast_in_dim3A_71 {strides = array<i32>} : memref<33x768xf32, #tpu.memory_space<vmem>>, vector<33x768xf32>,
      %broadcast_in_dim3A_75 = arith.constant 0.000000e+00 : f32
      %broadcast_in_dim3A_76 = vector.broadcast %broadcast_in_dim3A_75 : f32 to vector<33x2xf32>
      %swap3A_77 = arith.constant 0 : index
      %swap3A_78 = arith.constant 0 : index
      %swap3A_79 = vector.load %arg11[%swap3A_77, %swap3A_78] : memref<33x2xf32, #tpu.memory_space<vmem>>, vector<33x2xf32>
      tpu.vector_store %arg11[%swap3A_77, %swap3A_78], %broadcast_in_dim3A_76 {strides = array<i32>} : memref<33x2xf32, #tpu.memory_space<vmem>>, vector<33x2xf32>,
    } else {
    }
    %get3A = arith.constant 0 : index
    %get3A_2 = arith.constant 0 : index
    %get3A_3 = arith.constant 0 : index
    %get3A_4 = vector.load %arg4[%get3A, %get3A_2, %get3A_3] : memref<1x1x512xf32, #tpu.memory_space<vmem>>, vector<1x1x512xf32>
    %get3A_5 = vector.shape_cast %get3A_4 : vector<1x1x512xf32> to vector<1x512xf32>
    %get3A_6 = arith.constant 0 : index
    %get3A_7 = arith.constant 0 : index
    %get3A_8 = arith.constant 0 : index
    %get3A_9 = vector.load %arg5[%get3A_6, %get3A_7, %get3A_8] : memref<1x1x512xf32, #tpu.memory_space<vmem>>, vector<1x1x512xf32>
    %get3A_10 = vector.shape_cast %get3A_9 : vector<1x1x512xf32> to vector<1x512xf32>
    %iota3A = tpu.iota {dimensions = array<i32: 0>} : vector<33x1xi32>
    %convert_element_type3A_11 = arith.sitofp %iota3A : vector<33x1xi32> to vector<33x1xf32>
    %eq3A_12 = vector.broadcast %get3A_5 : vector<1x512xf32> to vector<33x512xf32>
    %eq3A_13 = vector.broadcast %convert_element_type3A_11 : vector<33x1xf32> to vector<33x512xf32>
    %eq3A_14 = arith.cmpf oeq, %eq3A_12, %eq3A_13 : vector<33x512xf32>
    %convert_element_type3A_15 = arith.extui %eq3A_14 : vector<33x512xi1> to vector<33x512xi32>
    %convert_element_type3A_16 = arith.sitofp %convert_element_type3A_15 : vector<33x512xi32> to vector<33x512xf32>
    %mul3A = vector.broadcast %get3A_10 : vector<1x512xf32> to vector<33x512xf32>
    %mul3A_17 = arith.mulf %convert_element_type3A_16, %mul3A : vector<33x512xf32>
    %get3A_18 = arith.constant 0 : index
    %get3A_19 = arith.constant 0 : index
    %get3A_20 = vector.load %arg9[%get3A_18, %get3A_19] : memref<33x768xf32, #tpu.memory_space<vmem>>, vector<33x768xf32>
    %get3A_21 = arith.constant 0 : index
    %get3A_22 = arith.constant 0 : index
    %get3A_23 = arith.constant 0 : index
    %get3A_24 = vector.load %arg2[%get3A_21, %get3A_22, %get3A_23] : memref<1x512x768xf32, #tpu.memory_space<vmem>>, vector<1x512x768xf32>
    %get3A_25 = vector.shape_cast %get3A_24 : vector<1x512x768xf32> to vector<512x768xf32>
    %dot_general3A = arith.constant dense<0.000000e+00> : vector<33x768xf32>
    %dot_general3A_26 = tpu.matmul %mul3A_17, %get3A_25, %dot_general3A {dimension_numbers = #tpu.dot_dimension_numbers<[1], [0], [0], [1], [0, 0, 1, 1], [], []>, precision = #tpu.contract_precision<fp32>, transpose_lhs_hint = false} : vector<33x512xf32>, vector<512x768xf32>, vector<33x768xf32> -> vector<33x768xf32>
    %add3A = arith.addf %get3A_20, %dot_general3A_26 : vector<33x768xf32>
    %swap3A = arith.constant 0 : index
    %swap3A_27 = arith.constant 0 : index
    %swap3A_28 = vector.load %arg9[%swap3A, %swap3A_27] : memref<33x768xf32, #tpu.memory_space<vmem>>, vector<33x768xf32>
    tpu.vector_store %arg9[%swap3A, %swap3A_27], %add3A {strides = array<i32>} : memref<33x768xf32, #tpu.memory_space<vmem>>, vector<33x768xf32>,
    %get3A_29 = arith.constant 0 : index
    %get3A_30 = arith.constant 0 : index
    %get3A_31 = vector.load %arg10[%get3A_29, %get3A_30] : memref<33x768xf32, #tpu.memory_space<vmem>>, vector<33x768xf32>
    %get3A_32 = arith.constant 0 : index
    %get3A_33 = arith.constant 0 : index
    %get3A_34 = arith.constant 0 : index
    %get3A_35 = vector.load %arg3[%get3A_32, %get3A_33, %get3A_34] : memref<1x512x768xf32, #tpu.memory_space<vmem>>, vector<1x512x768xf32>
    %get3A_36 = vector.shape_cast %get3A_35 : vector<1x512x768xf32> to vector<512x768xf32>
    %dot_general3A_37 = arith.constant dense<0.000000e+00> : vector<33x768xf32>
    %dot_general3A_38 = tpu.matmul %mul3A_17, %get3A_36, %dot_general3A_37 {dimension_numbers = #tpu.dot_dimension_numbers<[1], [0], [0], [1], [0, 0, 1, 1], [], []>, precision = #tpu.contract_precision<fp32>, transpose_lhs_hint = false} : vector<33x512xf32>, vector<512x768xf32>, vector<33x768xf32> -> vector<33x768xf32>
    %add3A_39 = arith.addf %get3A_31, %dot_general3A_38 : vector<33x768xf32>
    %swap3A_40 = arith.constant 0 : index
    %swap3A_41 = arith.constant 0 : index
    %swap3A_42 = vector.load %arg10[%swap3A_40, %swap3A_41] : memref<33x768xf32, #tpu.memory_space<vmem>>, vector<33x768xf32>
    tpu.vector_store %arg10[%swap3A_40, %swap3A_41], %add3A_39 {strides = array<i32>} : memref<33x768xf32, #tpu.memory_space<vmem>>, vector<33x768xf32>,
    %reduce_sum3A = arith.constant dense<0.000000e+00> : vector<33xf32>
    %reduce_sum3A_43 = vector.multi_reduction <add>, %mul3A_17, %reduce_sum3A [1] : vector<33x512xf32> to vector<33xf32>
    %broadcast_in_dim3A = vector.shape_cast %reduce_sum3A_43 : vector<33xf32> to vector<33x1xf32>
    %gt3A = arith.constant 0.000000e+00 : f32
    %gt3A_44 = vector.broadcast %gt3A : f32 to vector<1x512xf32>
    %gt3A_45 = arith.cmpf ogt, %get3A_10, %gt3A_44 : vector<1x512xf32>
    %convert_element_type3A_46 = arith.extui %gt3A_45 : vector<1x512xi1> to vector<1x512xi32>
    %convert_element_type3A_47 = arith.sitofp %convert_element_type3A_46 : vector<1x512xi32> to vector<1x512xf32>
    %mul3A_48 = vector.broadcast %convert_element_type3A_47 : vector<1x512xf32> to vector<33x512xf32>
    %mul3A_49 = arith.mulf %convert_element_type3A_16, %mul3A_48 : vector<33x512xf32>
    %reduce_sum3A_50 = arith.constant dense<0.000000e+00> : vector<33xf32>
    %reduce_sum3A_51 = vector.multi_reduction <add>, %mul3A_49, %reduce_sum3A_50 [1] : vector<33x512xf32> to vector<33xf32>
    %broadcast_in_dim3A_52 = vector.shape_cast %reduce_sum3A_51 : vector<33xf32> to vector<33x1xf32>
    %get3A_53 = arith.constant 0 : index
    %get3A_54 = arith.constant 0 : index
    %get3A_55 = vector.load %arg11[%get3A_53, %get3A_54] : memref<33x2xf32, #tpu.memory_space<vmem>>, vector<33x2xf32>
    %concatenate3A = tpu.concatenate %broadcast_in_dim3A, %broadcast_in_dim3A_52 in 1 : vector<33x1xf32>, vector<33x1xf32> -> vector<33x2xf32>
    %add3A_56 = arith.addf %get3A_55, %concatenate3A : vector<33x2xf32>
    %swap3A_57 = arith.constant 0 : index
    %swap3A_58 = arith.constant 0 : index
    %swap3A_59 = vector.load %arg11[%swap3A_57, %swap3A_58] : memref<33x2xf32, #tpu.memory_space<vmem>>, vector<33x2xf32>
    tpu.vector_store %arg11[%swap3A_57, %swap3A_58], %add3A_56 {strides = array<i32>} : memref<33x2xf32, #tpu.memory_space<vmem>>, vector<33x2xf32>,
    %eq3A_60 = arith.constant 3 : i32
    %eq3A_61 = arith.cmpi eq, %arg1, %eq3A_60 : i32
    %convert_element_type3A_62 = arith.extui %eq3A_61 : i1 to i32
    %cond3A_63 = arith.constant 0 : i32
    %cond3A_64 = arith.cmpi ne, %convert_element_type3A_62, %cond3A_63 : i32
    scf.if %cond3A_64 {
      %get3A_65 = arith.constant 0 : index
      %get3A_66 = arith.constant 0 : index
      %get3A_67 = vector.load %arg11[%get3A_65, %get3A_66] : memref<33x2xf32, #tpu.memory_space<vmem>>, vector<32x1xf32>
      %max3A = arith.constant 9.99999993E-9 : f32
      %max3A_68 = vector.broadcast %max3A : f32 to vector<32x1xf32>
      %max3A_69 = arith.maximumf %get3A_67, %max3A_68 : vector<32x1xf32>
      %get3A_70 = arith.constant 0 : index
      %get3A_71 = arith.constant 0 : index
      %get3A_72 = vector.load %arg9[%get3A_70, %get3A_71] : memref<33x768xf32, #tpu.memory_space<vmem>>, vector<32x768xf32>
      %div3A = vector.broadcast %max3A_69 : vector<32x1xf32> to vector<32x768xf32>
      %div3A_73 = arith.divf %get3A_72, %div3A : vector<32x768xf32>
      %swap3A_74 = arith.constant 0 : index
      %swap3A_75 = arith.constant 0 : index
      %swap3A_76 = arith.constant 0 : index
      %swap3A_77 = vector.load %arg6[%swap3A_74, %swap3A_75, %swap3A_76] : memref<1x32x768xf32, #tpu.memory_space<vmem>>, vector<1x32x768xf32>
      %swap3A_78 = vector.shape_cast %swap3A_77 : vector<1x32x768xf32> to vector<32x768xf32>
      %swap3A_79 = vector.shape_cast %div3A_73 : vector<32x768xf32> to vector<1x32x768xf32>
      tpu.vector_store %arg6[%swap3A_74, %swap3A_75, %swap3A_76], %swap3A_79 {strides = array<i32>} : memref<1x32x768xf32, #tpu.memory_space<vmem>>, vector<1x32x768xf32>,
      %get3A_80 = arith.constant 0 : index
      %get3A_81 = arith.constant 0 : index
      %get3A_82 = vector.load %arg10[%get3A_80, %get3A_81] : memref<33x768xf32, #tpu.memory_space<vmem>>, vector<32x768xf32>
      %div3A_83 = vector.broadcast %max3A_69 : vector<32x1xf32> to vector<32x768xf32>
      %div3A_84 = arith.divf %get3A_82, %div3A_83 : vector<32x768xf32>
      %swap3A_85 = arith.constant 0 : index
      %swap3A_86 = arith.constant 0 : index
      %swap3A_87 = arith.constant 0 : index
      %swap3A_88 = vector.load %arg7[%swap3A_85, %swap3A_86, %swap3A_87] : memref<1x32x768xf32, #tpu.memory_space<vmem>>, vector<1x32x768xf32>
      %swap3A_89 = vector.shape_cast %swap3A_88 : vector<1x32x768xf32> to vector<32x768xf32>
      %swap3A_90 = vector.shape_cast %div3A_84 : vector<32x768xf32> to vector<1x32x768xf32>
      tpu.vector_store %arg7[%swap3A_85, %swap3A_86, %swap3A_87], %swap3A_90 {strides = array<i32>} : memref<1x32x768xf32, #tpu.memory_space<vmem>>, vector<1x32x768xf32>,
      %get3A_91 = arith.constant 0 : index
      %get3A_92 = arith.constant 1 : index
      %get3A_93 = vector.load %arg11[%get3A_91, %get3A_92] : memref<33x2xf32, #tpu.memory_space<vmem>>, vector<32x1xf32>
      %gt3A_94 = arith.constant 0.000000e+00 : f32
      %gt3A_95 = vector.broadcast %gt3A_94 : f32 to vector<32x1xf32>
      %gt3A_96 = arith.cmpf ogt, %get3A_93, %gt3A_95 : vector<32x1xf32>
      %convert_element_type3A_97 = arith.extui %gt3A_96 : vector<32x1xi1> to vector<32x1xi32>
      %convert_element_type3A_98 = arith.sitofp %convert_element_type3A_97 : vector<32x1xi32> to vector<32x1xf32>
      %swap3A_99 = arith.constant 0 : index
      %swap3A_100 = arith.constant 0 : index
      %swap3A_101 = arith.constant 0 : index
      %swap3A_102 = vector.load %arg8[%swap3A_99, %swap3A_100, %swap3A_101] : memref<1x32x1xf32, #tpu.memory_space<vmem>>, vector<1x32x1xf32>
      %swap3A_103 = vector.shape_cast %swap3A_102 : vector<1x32x1xf32> to vector<32x1xf32>
      %swap3A_104 = vector.shape_cast %convert_element_type3A_98 : vector<32x1xf32> to vector<1x32x1xf32>
      tpu.vector_store %arg8[%swap3A_99, %swap3A_100, %swap3A_101], %swap3A_104 {strides = array<i32>} : memref<1x32x1xf32, #tpu.memory_space<vmem>>, vector<1x32x1xf32>,
    } else {
    }
    return
  }
  func.func @transform_0(%arg0: i32, %arg1: i32) -> (i32, i32, i32) {
    %c0_i32 = arith.constant 0 : i32
    %c0_i32_0 = arith.constant 0 : i32
    return %arg0, %arg1, %c0_i32 : i32, i32, i32
  }
  func.func @transform_1(%arg0: i32, %arg1: i32) -> (i32, i32, i32) {
    %c0_i32 = arith.constant 0 : i32
    %c0_i32_0 = arith.constant 0 : i32
    return %arg0, %arg1, %c0_i32 : i32, i32, i32
  }
  func.func @transform_2(%arg0: i32, %arg1: i32) -> (i32, i32, i32) {
    %c0_i32 = arith.constant 0 : i32
    %c0_i32_0 = arith.constant 0 : i32
    return %arg0, %c0_i32, %arg1 : i32, i32, i32
  }
  func.func @transform_3(%arg0: i32, %arg1: i32) -> (i32, i32, i32) {
    %c0_i32 = arith.constant 0 : i32
    %c0_i32_0 = arith.constant 0 : i32
    return %arg0, %c0_i32, %arg1 : i32, i32, i32
  }
  func.func @transform_4(%arg0: i32, %arg1: i32) -> (i32, i32, i32) {
    %c0_i32 = arith.constant 0 : i32
    %c0_i32_0 = arith.constant 0 : i32
    %c0_i32_1 = arith.constant 0 : i32
    return %arg0, %c0_i32, %c0_i32_0 : i32, i32, i32
  }
  func.func @transform_5(%arg0: i32, %arg1: i32) -> (i32, i32, i32) {
    %c0_i32 = arith.constant 0 : i32
    %c0_i32_0 = arith.constant 0 : i32
    %c0_i32_1 = arith.constant 0 : i32
    return %arg0, %c0_i32, %c0_i32_0 : i32, i32, i32
  }
  func.func @transform_6(%arg0: i32, %arg1: i32) -> (i32, i32, i32) {
    %c0_i32 = arith.constant 0 : i32
    %c0_i32_0 = arith.constant 0 : i32
    %c0_i32_1 = arith.constant 0 : i32
    return %arg0, %c0_i32, %c0_i32_0 : i32, i32, i32
  }
}

module attributes {stable_mosaic.version = 14 : i64} {
  func.func @_k4_project(%arg0: i32, %arg1: memref<1x32x768xf32, #tpu.memory_space<vmem>>, %arg2: memref<1x32x768xf32, #tpu.memory_space<vmem>>, %arg3: memref<1x32x1xf32, #tpu.memory_space<vmem>>, %arg4: memref<1x32x768xf32, #tpu.memory_space<vmem>>, %arg5: memref<1x32x768xf32, #tpu.memory_space<vmem>>, %arg6: memref<1x32x768xf32, #tpu.memory_space<vmem>>, %arg7: memref<1x32x768xf32, #tpu.memory_space<vmem>>, %arg8: memref<1x1x32xf32, #tpu.memory_space<vmem>>, %arg9: memref<768x768xf32, #tpu.memory_space<vmem>>, %arg10: memref<768x768xf32, #tpu.memory_space<vmem>>, %arg11: memref<768x768xf32, #tpu.memory_space<vmem>>, %arg12: memref<768x768xf32, #tpu.memory_space<vmem>>, %arg13: memref<1x32x768xf32, #tpu.memory_space<vmem>>, %arg14: memref<1x32x768xf32, #tpu.memory_space<vmem>>, %arg15: memref<1x32x768xf32, #tpu.memory_space<vmem>>, %arg16: memref<1x32x768xf32, #tpu.memory_space<vmem>>, %arg17: memref<1x1x32xf32, #tpu.memory_space<vmem>>) attributes {dimension_semantics = [#tpu.dimension_semantics<arbitrary>], iteration_bounds = array<i64: 4>, scalar_prefetch = 0 : i64, scratch_operands = 0 : i64, tpu.core_type = #tpu.core_type<tc>, window_params = [{transform_indices = @transform_0, window_bounds = array<i64: 1, 32, 768>}, {transform_indices = @transform_1, window_bounds = array<i64: 1, 32, 768>}, {transform_indices = @transform_2, window_bounds = array<i64: 1, 32, 1>}, {transform_indices = @transform_3, window_bounds = array<i64: 1, 32, 768>}, {transform_indices = @transform_4, window_bounds = array<i64: 1, 32, 768>}, {transform_indices = @transform_5, window_bounds = array<i64: 1, 32, 768>}, {transform_indices = @transform_6, window_bounds = array<i64: 1, 32, 768>}, {transform_indices = @transform_7, window_bounds = array<i64: 1, 1, 32>}, {pipeline_mode = #tpu.pipeline_mode<synchronous>, transform_indices = @transform_8, window_bounds = array<i64: 768, 768>}, {pipeline_mode = #tpu.pipeline_mode<synchronous>, transform_indices = @transform_9, window_bounds = array<i64: 768, 768>}, {pipeline_mode = #tpu.pipeline_mode<synchronous>, transform_indices = @transform_10, window_bounds = array<i64: 768, 768>}, {pipeline_mode = #tpu.pipeline_mode<synchronous>, transform_indices = @transform_11, window_bounds = array<i64: 768, 768>}, {transform_indices = @transform_12, window_bounds = array<i64: 1, 32, 768>}, {transform_indices = @transform_13, window_bounds = array<i64: 1, 32, 768>}, {transform_indices = @transform_14, window_bounds = array<i64: 1, 32, 768>}, {transform_indices = @transform_15, window_bounds = array<i64: 1, 32, 768>}, {transform_indices = @transform_16, window_bounds = array<i64: 1, 1, 32>}]} {
    %get3A = arith.constant 0 : index
    %get3A_0 = arith.constant 0 : index
    %get3A_1 = arith.constant 0 : index
    %get3A_2 = vector.load %arg1[%get3A, %get3A_0, %get3A_1] : memref<1x32x768xf32, #tpu.memory_space<vmem>>, vector<1x32x768xf32>
    %get3A_3 = vector.shape_cast %get3A_2 : vector<1x32x768xf32> to vector<32x768xf32>
    %get3A_4 = arith.constant 0 : index
    %get3A_5 = arith.constant 0 : index
    %get3A_6 = arith.constant 0 : index
    %get3A_7 = vector.load %arg2[%get3A_4, %get3A_5, %get3A_6] : memref<1x32x768xf32, #tpu.memory_space<vmem>>, vector<1x32x768xf32>
    %get3A_8 = vector.shape_cast %get3A_7 : vector<1x32x768xf32> to vector<32x768xf32>
    %get3A_9 = arith.constant 0 : index
    %get3A_10 = arith.constant 0 : index
    %get3A_11 = arith.constant 0 : index
    %get3A_12 = vector.load %arg3[%get3A_9, %get3A_10, %get3A_11] : memref<1x32x1xf32, #tpu.memory_space<vmem>>, vector<1x32x1xf32>
    %get3A_13 = vector.shape_cast %get3A_12 : vector<1x32x1xf32> to vector<32x1xf32>
    %get3A_14 = arith.constant 0 : index
    %get3A_15 = arith.constant 0 : index
    %get3A_16 = vector.load %arg9[%get3A_14, %get3A_15] : memref<768x768xf32, #tpu.memory_space<vmem>>, vector<768x768xf32>
    %dot_general3A = arith.constant dense<0.000000e+00> : vector<32x768xf32>
    %dot_general3A_17 = tpu.matmul %get3A_3, %get3A_16, %dot_general3A {dimension_numbers = #tpu.dot_dimension_numbers<[1], [0], [0], [1], [0, 0, 1, 1], [], []>, transpose_lhs_hint = false} : vector<32x768xf32>, vector<768x768xf32>, vector<32x768xf32> -> vector<32x768xf32>
    %get3A_18 = arith.constant 0 : index
    %get3A_19 = arith.constant 0 : index
    %get3A_20 = vector.load %arg10[%get3A_18, %get3A_19] : memref<768x768xf32, #tpu.memory_space<vmem>>, vector<768x768xf32>
    %dot_general3A_21 = arith.constant dense<0.000000e+00> : vector<32x768xf32>
    %dot_general3A_22 = tpu.matmul %get3A_8, %get3A_20, %dot_general3A_21 {dimension_numbers = #tpu.dot_dimension_numbers<[1], [0], [0], [1], [0, 0, 1, 1], [], []>, transpose_lhs_hint = false} : vector<32x768xf32>, vector<768x768xf32>, vector<32x768xf32> -> vector<32x768xf32>
    %sub3A = arith.subf %dot_general3A_17, %dot_general3A_22 : vector<32x768xf32>
    %get3A_23 = arith.constant 0 : index
    %get3A_24 = arith.constant 0 : index
    %get3A_25 = vector.load %arg10[%get3A_23, %get3A_24] : memref<768x768xf32, #tpu.memory_space<vmem>>, vector<768x768xf32>
    %dot_general3A_26 = arith.constant dense<0.000000e+00> : vector<32x768xf32>
    %dot_general3A_27 = tpu.matmul %get3A_3, %get3A_25, %dot_general3A_26 {dimension_numbers = #tpu.dot_dimension_numbers<[1], [0], [0], [1], [0, 0, 1, 1], [], []>, transpose_lhs_hint = false} : vector<32x768xf32>, vector<768x768xf32>, vector<32x768xf32> -> vector<32x768xf32>
    %get3A_28 = arith.constant 0 : index
    %get3A_29 = arith.constant 0 : index
    %get3A_30 = vector.load %arg9[%get3A_28, %get3A_29] : memref<768x768xf32, #tpu.memory_space<vmem>>, vector<768x768xf32>
    %dot_general3A_31 = arith.constant dense<0.000000e+00> : vector<32x768xf32>
    %dot_general3A_32 = tpu.matmul %get3A_8, %get3A_30, %dot_general3A_31 {dimension_numbers = #tpu.dot_dimension_numbers<[1], [0], [0], [1], [0, 0, 1, 1], [], []>, transpose_lhs_hint = false} : vector<32x768xf32>, vector<768x768xf32>, vector<32x768xf32> -> vector<32x768xf32>
    %add3A = arith.addf %dot_general3A_27, %dot_general3A_32 : vector<32x768xf32>
    %get3A_33 = arith.constant 0 : index
    %get3A_34 = arith.constant 0 : index
    %get3A_35 = vector.load %arg11[%get3A_33, %get3A_34] : memref<768x768xf32, #tpu.memory_space<vmem>>, vector<768x768xf32>
    %dot_general3A_36 = arith.constant dense<0.000000e+00> : vector<32x768xf32>
    %dot_general3A_37 = tpu.matmul %get3A_3, %get3A_35, %dot_general3A_36 {dimension_numbers = #tpu.dot_dimension_numbers<[1], [0], [0], [1], [0, 0, 1, 1], [], []>, transpose_lhs_hint = false} : vector<32x768xf32>, vector<768x768xf32>, vector<32x768xf32> -> vector<32x768xf32>
    %get3A_38 = arith.constant 0 : index
    %get3A_39 = arith.constant 0 : index
    %get3A_40 = vector.load %arg12[%get3A_38, %get3A_39] : memref<768x768xf32, #tpu.memory_space<vmem>>, vector<768x768xf32>
    %dot_general3A_41 = arith.constant dense<0.000000e+00> : vector<32x768xf32>
    %dot_general3A_42 = tpu.matmul %get3A_8, %get3A_40, %dot_general3A_41 {dimension_numbers = #tpu.dot_dimension_numbers<[1], [0], [0], [1], [0, 0, 1, 1], [], []>, transpose_lhs_hint = false} : vector<32x768xf32>, vector<768x768xf32>, vector<32x768xf32> -> vector<32x768xf32>
    %sub3A_43 = arith.subf %dot_general3A_37, %dot_general3A_42 : vector<32x768xf32>
    %get3A_44 = arith.constant 0 : index
    %get3A_45 = arith.constant 0 : index
    %get3A_46 = vector.load %arg12[%get3A_44, %get3A_45] : memref<768x768xf32, #tpu.memory_space<vmem>>, vector<768x768xf32>
    %dot_general3A_47 = arith.constant dense<0.000000e+00> : vector<32x768xf32>
    %dot_general3A_48 = tpu.matmul %get3A_3, %get3A_46, %dot_general3A_47 {dimension_numbers = #tpu.dot_dimension_numbers<[1], [0], [0], [1], [0, 0, 1, 1], [], []>, transpose_lhs_hint = false} : vector<32x768xf32>, vector<768x768xf32>, vector<32x768xf32> -> vector<32x768xf32>
    %get3A_49 = arith.constant 0 : index
    %get3A_50 = arith.constant 0 : index
    %get3A_51 = vector.load %arg11[%get3A_49, %get3A_50] : memref<768x768xf32, #tpu.memory_space<vmem>>, vector<768x768xf32>
    %dot_general3A_52 = arith.constant dense<0.000000e+00> : vector<32x768xf32>
    %dot_general3A_53 = tpu.matmul %get3A_8, %get3A_51, %dot_general3A_52 {dimension_numbers = #tpu.dot_dimension_numbers<[1], [0], [0], [1], [0, 0, 1, 1], [], []>, transpose_lhs_hint = false} : vector<32x768xf32>, vector<768x768xf32>, vector<32x768xf32> -> vector<32x768xf32>
    %add3A_54 = arith.addf %dot_general3A_48, %dot_general3A_53 : vector<32x768xf32>
    %mul3A = vector.broadcast %get3A_13 : vector<32x1xf32> to vector<32x768xf32>
    %mul3A_55 = arith.mulf %mul3A, %sub3A : vector<32x768xf32>
    %sub3A_56 = arith.constant 1.000000e+00 : f32
    %sub3A_57 = vector.broadcast %sub3A_56 : f32 to vector<32x1xf32>
    %sub3A_58 = arith.subf %sub3A_57, %get3A_13 : vector<32x1xf32>
    %get3A_59 = arith.constant 0 : index
    %get3A_60 = arith.constant 0 : index
    %get3A_61 = arith.constant 0 : index
    %get3A_62 = vector.load %arg4[%get3A_59, %get3A_60, %get3A_61] : memref<1x32x768xf32, #tpu.memory_space<vmem>>, vector<1x32x768xf32>
    %get3A_63 = vector.shape_cast %get3A_62 : vector<1x32x768xf32> to vector<32x768xf32>
    %mul3A_64 = vector.broadcast %sub3A_58 : vector<32x1xf32> to vector<32x768xf32>
    %mul3A_65 = arith.mulf %mul3A_64, %get3A_63 : vector<32x768xf32>
    %add3A_66 = arith.addf %mul3A_55, %mul3A_65 : vector<32x768xf32>
    %swap3A = arith.constant 0 : index
    %swap3A_67 = arith.constant 0 : index
    %swap3A_68 = arith.constant 0 : index
    %swap3A_69 = vector.load %arg13[%swap3A, %swap3A_67, %swap3A_68] : memref<1x32x768xf32, #tpu.memory_space<vmem>>, vector<1x32x768xf32>
    %swap3A_70 = vector.shape_cast %swap3A_69 : vector<1x32x768xf32> to vector<32x768xf32>
    %swap3A_71 = vector.shape_cast %add3A_66 : vector<32x768xf32> to vector<1x32x768xf32>
    tpu.vector_store %arg13[%swap3A, %swap3A_67, %swap3A_68], %swap3A_71 {strides = array<i32>} : memref<1x32x768xf32, #tpu.memory_space<vmem>>, vector<1x32x768xf32>,
    %mul3A_72 = vector.broadcast %get3A_13 : vector<32x1xf32> to vector<32x768xf32>
    %mul3A_73 = arith.mulf %mul3A_72, %add3A : vector<32x768xf32>
    %sub3A_74 = arith.constant 1.000000e+00 : f32
    %sub3A_75 = vector.broadcast %sub3A_74 : f32 to vector<32x1xf32>
    %sub3A_76 = arith.subf %sub3A_75, %get3A_13 : vector<32x1xf32>
    %get3A_77 = arith.constant 0 : index
    %get3A_78 = arith.constant 0 : index
    %get3A_79 = arith.constant 0 : index
    %get3A_80 = vector.load %arg5[%get3A_77, %get3A_78, %get3A_79] : memref<1x32x768xf32, #tpu.memory_space<vmem>>, vector<1x32x768xf32>
    %get3A_81 = vector.shape_cast %get3A_80 : vector<1x32x768xf32> to vector<32x768xf32>
    %mul3A_82 = vector.broadcast %sub3A_76 : vector<32x1xf32> to vector<32x768xf32>
    %mul3A_83 = arith.mulf %mul3A_82, %get3A_81 : vector<32x768xf32>
    %add3A_84 = arith.addf %mul3A_73, %mul3A_83 : vector<32x768xf32>
    %swap3A_85 = arith.constant 0 : index
    %swap3A_86 = arith.constant 0 : index
    %swap3A_87 = arith.constant 0 : index
    %swap3A_88 = vector.load %arg14[%swap3A_85, %swap3A_86, %swap3A_87] : memref<1x32x768xf32, #tpu.memory_space<vmem>>, vector<1x32x768xf32>
    %swap3A_89 = vector.shape_cast %swap3A_88 : vector<1x32x768xf32> to vector<32x768xf32>
    %swap3A_90 = vector.shape_cast %add3A_84 : vector<32x768xf32> to vector<1x32x768xf32>
    tpu.vector_store %arg14[%swap3A_85, %swap3A_86, %swap3A_87], %swap3A_90 {strides = array<i32>} : memref<1x32x768xf32, #tpu.memory_space<vmem>>, vector<1x32x768xf32>,
    %mul3A_91 = vector.broadcast %get3A_13 : vector<32x1xf32> to vector<32x768xf32>
    %mul3A_92 = arith.mulf %mul3A_91, %sub3A_43 : vector<32x768xf32>
    %sub3A_93 = arith.constant 1.000000e+00 : f32
    %sub3A_94 = vector.broadcast %sub3A_93 : f32 to vector<32x1xf32>
    %sub3A_95 = arith.subf %sub3A_94, %get3A_13 : vector<32x1xf32>
    %get3A_96 = arith.constant 0 : index
    %get3A_97 = arith.constant 0 : index
    %get3A_98 = arith.constant 0 : index
    %get3A_99 = vector.load %arg6[%get3A_96, %get3A_97, %get3A_98] : memref<1x32x768xf32, #tpu.memory_space<vmem>>, vector<1x32x768xf32>
    %get3A_100 = vector.shape_cast %get3A_99 : vector<1x32x768xf32> to vector<32x768xf32>
    %mul3A_101 = vector.broadcast %sub3A_95 : vector<32x1xf32> to vector<32x768xf32>
    %mul3A_102 = arith.mulf %mul3A_101, %get3A_100 : vector<32x768xf32>
    %add3A_103 = arith.addf %mul3A_92, %mul3A_102 : vector<32x768xf32>
    %swap3A_104 = arith.constant 0 : index
    %swap3A_105 = arith.constant 0 : index
    %swap3A_106 = arith.constant 0 : index
    %swap3A_107 = vector.load %arg15[%swap3A_104, %swap3A_105, %swap3A_106] : memref<1x32x768xf32, #tpu.memory_space<vmem>>, vector<1x32x768xf32>
    %swap3A_108 = vector.shape_cast %swap3A_107 : vector<1x32x768xf32> to vector<32x768xf32>
    %swap3A_109 = vector.shape_cast %add3A_103 : vector<32x768xf32> to vector<1x32x768xf32>
    tpu.vector_store %arg15[%swap3A_104, %swap3A_105, %swap3A_106], %swap3A_109 {strides = array<i32>} : memref<1x32x768xf32, #tpu.memory_space<vmem>>, vector<1x32x768xf32>,
    %mul3A_110 = vector.broadcast %get3A_13 : vector<32x1xf32> to vector<32x768xf32>
    %mul3A_111 = arith.mulf %mul3A_110, %add3A_54 : vector<32x768xf32>
    %sub3A_112 = arith.constant 1.000000e+00 : f32
    %sub3A_113 = vector.broadcast %sub3A_112 : f32 to vector<32x1xf32>
    %sub3A_114 = arith.subf %sub3A_113, %get3A_13 : vector<32x1xf32>
    %get3A_115 = arith.constant 0 : index
    %get3A_116 = arith.constant 0 : index
    %get3A_117 = arith.constant 0 : index
    %get3A_118 = vector.load %arg7[%get3A_115, %get3A_116, %get3A_117] : memref<1x32x768xf32, #tpu.memory_space<vmem>>, vector<1x32x768xf32>
    %get3A_119 = vector.shape_cast %get3A_118 : vector<1x32x768xf32> to vector<32x768xf32>
    %mul3A_120 = vector.broadcast %sub3A_114 : vector<32x1xf32> to vector<32x768xf32>
    %mul3A_121 = arith.mulf %mul3A_120, %get3A_119 : vector<32x768xf32>
    %add3A_122 = arith.addf %mul3A_111, %mul3A_121 : vector<32x768xf32>
    %swap3A_123 = arith.constant 0 : index
    %swap3A_124 = arith.constant 0 : index
    %swap3A_125 = arith.constant 0 : index
    %swap3A_126 = vector.load %arg16[%swap3A_123, %swap3A_124, %swap3A_125] : memref<1x32x768xf32, #tpu.memory_space<vmem>>, vector<1x32x768xf32>
    %swap3A_127 = vector.shape_cast %swap3A_126 : vector<1x32x768xf32> to vector<32x768xf32>
    %swap3A_128 = vector.shape_cast %add3A_122 : vector<32x768xf32> to vector<1x32x768xf32>
    tpu.vector_store %arg16[%swap3A_123, %swap3A_124, %swap3A_125], %swap3A_128 {strides = array<i32>} : memref<1x32x768xf32, #tpu.memory_space<vmem>>, vector<1x32x768xf32>,
    %broadcast_in_dim3A = arith.constant 1.000000e+00 : f32
    %broadcast_in_dim3A_129 = vector.broadcast %broadcast_in_dim3A : f32 to vector<1x1xf32>
    %dot_general3A_130 = arith.constant dense<0.000000e+00> : vector<1x32xf32>
    %dot_general3A_131 = tpu.matmul %broadcast_in_dim3A_129, %get3A_13, %dot_general3A_130 {dimension_numbers = #tpu.dot_dimension_numbers<[1], [1], [0], [0], [0, 0, 1, 0], [], []>, precision = #tpu.contract_precision<fp32>, transpose_lhs_hint = false} : vector<1x1xf32>, vector<32x1xf32>, vector<1x32xf32> -> vector<1x32xf32>
    %get3A_132 = arith.constant 0 : index
    %get3A_133 = arith.constant 0 : index
    %get3A_134 = arith.constant 0 : index
    %get3A_135 = vector.load %arg8[%get3A_132, %get3A_133, %get3A_134] : memref<1x1x32xf32, #tpu.memory_space<vmem>>, vector<1x1x32xf32>
    %get3A_136 = vector.shape_cast %get3A_135 : vector<1x1x32xf32> to vector<1x32xf32>
    %add3A_137 = arith.addf %get3A_136, %dot_general3A_131 : vector<1x32xf32>
    %min3A = arith.constant 1.000000e+00 : f32
    %min3A_138 = vector.broadcast %min3A : f32 to vector<1x32xf32>
    %min3A_139 = arith.minimumf %add3A_137, %min3A_138 : vector<1x32xf32>
    %swap3A_140 = arith.constant 0 : index
    %swap3A_141 = arith.constant 0 : index
    %swap3A_142 = arith.constant 0 : index
    %swap3A_143 = vector.load %arg17[%swap3A_140, %swap3A_141, %swap3A_142] : memref<1x1x32xf32, #tpu.memory_space<vmem>>, vector<1x1x32xf32>
    %swap3A_144 = vector.shape_cast %swap3A_143 : vector<1x1x32xf32> to vector<1x32xf32>
    %swap3A_145 = vector.shape_cast %min3A_139 : vector<1x32xf32> to vector<1x1x32xf32>
    tpu.vector_store %arg17[%swap3A_140, %swap3A_141, %swap3A_142], %swap3A_145 {strides = array<i32>} : memref<1x1x32xf32, #tpu.memory_space<vmem>>, vector<1x1x32xf32>,
    return
  }
  func.func @transform_0(%arg0: i32) -> (i32, i32, i32) {
    %c0_i32 = arith.constant 0 : i32
    %c0_i32_0 = arith.constant 0 : i32
    %c0_i32_1 = arith.constant 0 : i32
    return %arg0, %c0_i32, %c0_i32_0 : i32, i32, i32
  }
  func.func @transform_1(%arg0: i32) -> (i32, i32, i32) {
    %c0_i32 = arith.constant 0 : i32
    %c0_i32_0 = arith.constant 0 : i32
    %c0_i32_1 = arith.constant 0 : i32
    return %arg0, %c0_i32, %c0_i32_0 : i32, i32, i32
  }
  func.func @transform_2(%arg0: i32) -> (i32, i32, i32) {
    %c0_i32 = arith.constant 0 : i32
    %c0_i32_0 = arith.constant 0 : i32
    %c0_i32_1 = arith.constant 0 : i32
    return %arg0, %c0_i32, %c0_i32_0 : i32, i32, i32
  }
  func.func @transform_3(%arg0: i32) -> (i32, i32, i32) {
    %c0_i32 = arith.constant 0 : i32
    %c0_i32_0 = arith.constant 0 : i32
    %c0_i32_1 = arith.constant 0 : i32
    return %arg0, %c0_i32, %c0_i32_0 : i32, i32, i32
  }
  func.func @transform_4(%arg0: i32) -> (i32, i32, i32) {
    %c0_i32 = arith.constant 0 : i32
    %c0_i32_0 = arith.constant 0 : i32
    %c0_i32_1 = arith.constant 0 : i32
    return %arg0, %c0_i32, %c0_i32_0 : i32, i32, i32
  }
  func.func @transform_5(%arg0: i32) -> (i32, i32, i32) {
    %c0_i32 = arith.constant 0 : i32
    %c0_i32_0 = arith.constant 0 : i32
    %c0_i32_1 = arith.constant 0 : i32
    return %arg0, %c0_i32, %c0_i32_0 : i32, i32, i32
  }
  func.func @transform_6(%arg0: i32) -> (i32, i32, i32) {
    %c0_i32 = arith.constant 0 : i32
    %c0_i32_0 = arith.constant 0 : i32
    %c0_i32_1 = arith.constant 0 : i32
    return %arg0, %c0_i32, %c0_i32_0 : i32, i32, i32
  }
  func.func @transform_7(%arg0: i32) -> (i32, i32, i32) {
    %c0_i32 = arith.constant 0 : i32
    %c0_i32_0 = arith.constant 0 : i32
    %c0_i32_1 = arith.constant 0 : i32
    return %arg0, %c0_i32, %c0_i32_0 : i32, i32, i32
  }
  func.func @transform_8(%arg0: i32) -> (i32, i32) {
    %c0_i32 = arith.constant 0 : i32
    %c0_i32_0 = arith.constant 0 : i32
    %c0_i32_1 = arith.constant 0 : i32
    return %c0_i32, %c0_i32_0 : i32, i32
  }
  func.func @transform_9(%arg0: i32) -> (i32, i32) {
    %c0_i32 = arith.constant 0 : i32
    %c0_i32_0 = arith.constant 0 : i32
    %c0_i32_1 = arith.constant 0 : i32
    return %c0_i32, %c0_i32_0 : i32, i32
  }
  func.func @transform_10(%arg0: i32) -> (i32, i32) {
    %c0_i32 = arith.constant 0 : i32
    %c0_i32_0 = arith.constant 0 : i32
    %c0_i32_1 = arith.constant 0 : i32
    return %c0_i32, %c0_i32_0 : i32, i32
  }
  func.func @transform_11(%arg0: i32) -> (i32, i32) {
    %c0_i32 = arith.constant 0 : i32
    %c0_i32_0 = arith.constant 0 : i32
    %c0_i32_1 = arith.constant 0 : i32
    return %c0_i32, %c0_i32_0 : i32, i32
  }
  func.func @transform_12(%arg0: i32) -> (i32, i32, i32) {
    %c0_i32 = arith.constant 0 : i32
    %c0_i32_0 = arith.constant 0 : i32
    %c0_i32_1 = arith.constant 0 : i32
    return %arg0, %c0_i32, %c0_i32_0 : i32, i32, i32
  }
  func.func @transform_13(%arg0: i32) -> (i32, i32, i32) {
    %c0_i32 = arith.constant 0 : i32
    %c0_i32_0 = arith.constant 0 : i32
    %c0_i32_1 = arith.constant 0 : i32
    return %arg0, %c0_i32, %c0_i32_0 : i32, i32, i32
  }
  func.func @transform_14(%arg0: i32) -> (i32, i32, i32) {
    %c0_i32 = arith.constant 0 : i32
    %c0_i32_0 = arith.constant 0 : i32
    %c0_i32_1 = arith.constant 0 : i32
    return %arg0, %c0_i32, %c0_i32_0 : i32, i32, i32
  }
  func.func @transform_15(%arg0: i32) -> (i32, i32, i32) {
    %c0_i32 = arith.constant 0 : i32
    %c0_i32_0 = arith.constant 0 : i32
    %c0_i32_1 = arith.constant 0 : i32
    return %arg0, %c0_i32, %c0_i32_0 : i32, i32, i32
  }
  func.func @transform_16(%arg0: i32) -> (i32, i32, i32) {
    %c0_i32 = arith.constant 0 : i32
    %c0_i32_0 = arith.constant 0 : i32
    %c0_i32_1 = arith.constant 0 : i32
    return %arg0, %c0_i32, %c0_i32_0 : i32, i32, i32
  }
}

module attributes {stable_mosaic.version = 14 : i64} {
  func.func @_k5_retrieve(%arg0: i32, %arg1: i32, %arg2: memref<1x512x768xf32, #tpu.memory_space<vmem>>, %arg3: memref<1x512x768xf32, #tpu.memory_space<vmem>>, %arg4: memref<1x512x1xf32, #tpu.memory_space<vmem>>, %arg5: memref<1x768xf32, #tpu.memory_space<vmem>>, %arg6: memref<768x768xf32, #tpu.memory_space<vmem>>, %arg7: memref<768x768xf32, #tpu.memory_space<vmem>>, %arg8: memref<1x32x768xf32, #tpu.memory_space<vmem>>, %arg9: memref<1x32x768xf32, #tpu.memory_space<vmem>>, %arg10: memref<1x32x768xf32, #tpu.memory_space<vmem>>, %arg11: memref<1x32x768xf32, #tpu.memory_space<vmem>>, %arg12: memref<1x1x32xf32, #tpu.memory_space<vmem>>, %arg13: memref<1x512x768xf32, #tpu.memory_space<vmem>>, %arg14: memref<1x512x768xf32, #tpu.memory_space<vmem>>) attributes {dimension_semantics = [#tpu.dimension_semantics<arbitrary>, #tpu.dimension_semantics<arbitrary>], iteration_bounds = array<i64: 4, 4>, scalar_prefetch = 0 : i64, scratch_operands = 0 : i64, tpu.core_type = #tpu.core_type<tc>, window_params = [{transform_indices = @transform_0, window_bounds = array<i64: 1, 512, 768>}, {transform_indices = @transform_1, window_bounds = array<i64: 1, 512, 768>}, {transform_indices = @transform_2, window_bounds = array<i64: 1, 512, 1>}, {pipeline_mode = #tpu.pipeline_mode<synchronous>, transform_indices = @transform_3, window_bounds = array<i64: 1, 768>}, {pipeline_mode = #tpu.pipeline_mode<synchronous>, transform_indices = @transform_4, window_bounds = array<i64: 768, 768>}, {pipeline_mode = #tpu.pipeline_mode<synchronous>, transform_indices = @transform_5, window_bounds = array<i64: 768, 768>}, {transform_indices = @transform_6, window_bounds = array<i64: 1, 32, 768>}, {transform_indices = @transform_7, window_bounds = array<i64: 1, 32, 768>}, {transform_indices = @transform_8, window_bounds = array<i64: 1, 32, 768>}, {transform_indices = @transform_9, window_bounds = array<i64: 1, 32, 768>}, {transform_indices = @transform_10, window_bounds = array<i64: 1, 1, 32>}, {transform_indices = @transform_11, window_bounds = array<i64: 1, 512, 768>}, {transform_indices = @transform_12, window_bounds = array<i64: 1, 512, 768>}]} {
    %get3A = arith.constant 0 : index
    %get3A_0 = arith.constant 0 : index
    %get3A_1 = vector.load %arg5[%get3A, %get3A_0] : memref<1x768xf32, #tpu.memory_space<vmem>>, vector<1x768xf32>
    %get3A_2 = arith.constant 0 : index
    %get3A_3 = arith.constant 0 : index
    %get3A_4 = arith.constant 0 : index
    %get3A_5 = vector.load %arg4[%get3A_2, %get3A_3, %get3A_4] : memref<1x512x1xf32, #tpu.memory_space<vmem>>, vector<1x512x1xf32>
    %get3A_6 = vector.shape_cast %get3A_5 : vector<1x512x1xf32> to vector<512x1xf32>
    %div3A = vector.broadcast %get3A_1 : vector<1x768xf32> to vector<512x768xf32>
    %div3A_7 = vector.broadcast %get3A_6 : vector<512x1xf32> to vector<512x768xf32>
    %div3A_8 = arith.divf %div3A, %div3A_7 : vector<512x768xf32>
    %get3A_9 = arith.constant 0 : index
    %get3A_10 = arith.constant 0 : index
    %get3A_11 = arith.constant 0 : index
    %get3A_12 = vector.load %arg2[%get3A_9, %get3A_10, %get3A_11] : memref<1x512x768xf32, #tpu.memory_space<vmem>>, vector<1x512x768xf32>
    %get3A_13 = vector.shape_cast %get3A_12 : vector<1x512x768xf32> to vector<512x768xf32>
    %mul3A = arith.mulf %get3A_13, %div3A_8 : vector<512x768xf32>
    %get3A_14 = arith.constant 0 : index
    %get3A_15 = arith.constant 0 : index
    %get3A_16 = arith.constant 0 : index
    %get3A_17 = vector.load %arg3[%get3A_14, %get3A_15, %get3A_16] : memref<1x512x768xf32, #tpu.memory_space<vmem>>, vector<1x512x768xf32>
    %get3A_18 = vector.shape_cast %get3A_17 : vector<1x512x768xf32> to vector<512x768xf32>
    %mul3A_19 = arith.mulf %get3A_18, %div3A_8 : vector<512x768xf32>
    %get3A_20 = arith.constant 0 : index
    %get3A_21 = arith.constant 0 : index
    %get3A_22 = vector.load %arg6[%get3A_20, %get3A_21] : memref<768x768xf32, #tpu.memory_space<vmem>>, vector<768x768xf32>
    %dot_general3A = arith.constant dense<0.000000e+00> : vector<512x768xf32>
    %dot_general3A_23 = tpu.matmul %mul3A, %get3A_22, %dot_general3A {dimension_numbers = #tpu.dot_dimension_numbers<[1], [0], [0], [1], [0, 0, 1, 1], [], []>, transpose_lhs_hint = false} : vector<512x768xf32>, vector<768x768xf32>, vector<512x768xf32> -> vector<512x768xf32>
    %get3A_24 = arith.constant 0 : index
    %get3A_25 = arith.constant 0 : index
    %get3A_26 = vector.load %arg7[%get3A_24, %get3A_25] : memref<768x768xf32, #tpu.memory_space<vmem>>, vector<768x768xf32>
    %dot_general3A_27 = arith.constant dense<0.000000e+00> : vector<512x768xf32>
    %dot_general3A_28 = tpu.matmul %mul3A_19, %get3A_26, %dot_general3A_27 {dimension_numbers = #tpu.dot_dimension_numbers<[1], [0], [0], [1], [0, 0, 1, 1], [], []>, transpose_lhs_hint = false} : vector<512x768xf32>, vector<768x768xf32>, vector<512x768xf32> -> vector<512x768xf32>
    %sub3A = arith.subf %dot_general3A_23, %dot_general3A_28 : vector<512x768xf32>
    %get3A_29 = arith.constant 0 : index
    %get3A_30 = arith.constant 0 : index
    %get3A_31 = vector.load %arg7[%get3A_29, %get3A_30] : memref<768x768xf32, #tpu.memory_space<vmem>>, vector<768x768xf32>
    %dot_general3A_32 = arith.constant dense<0.000000e+00> : vector<512x768xf32>
    %dot_general3A_33 = tpu.matmul %mul3A, %get3A_31, %dot_general3A_32 {dimension_numbers = #tpu.dot_dimension_numbers<[1], [0], [0], [1], [0, 0, 1, 1], [], []>, transpose_lhs_hint = false} : vector<512x768xf32>, vector<768x768xf32>, vector<512x768xf32> -> vector<512x768xf32>
    %get3A_34 = arith.constant 0 : index
    %get3A_35 = arith.constant 0 : index
    %get3A_36 = vector.load %arg6[%get3A_34, %get3A_35] : memref<768x768xf32, #tpu.memory_space<vmem>>, vector<768x768xf32>
    %dot_general3A_37 = arith.constant dense<0.000000e+00> : vector<512x768xf32>
    %dot_general3A_38 = tpu.matmul %mul3A_19, %get3A_36, %dot_general3A_37 {dimension_numbers = #tpu.dot_dimension_numbers<[1], [0], [0], [1], [0, 0, 1, 1], [], []>, transpose_lhs_hint = false} : vector<512x768xf32>, vector<768x768xf32>, vector<512x768xf32> -> vector<512x768xf32>
    %add3A = arith.addf %dot_general3A_33, %dot_general3A_38 : vector<512x768xf32>
    %get3A_39 = arith.constant 0 : index
    %get3A_40 = arith.constant 0 : index
    %get3A_41 = arith.constant 0 : index
    %get3A_42 = vector.load %arg8[%get3A_39, %get3A_40, %get3A_41] : memref<1x32x768xf32, #tpu.memory_space<vmem>>, vector<1x32x768xf32>
    %get3A_43 = vector.shape_cast %get3A_42 : vector<1x32x768xf32> to vector<32x768xf32>
    %dot_general3A_44 = arith.constant dense<0.000000e+00> : vector<512x32xf32>
    %dot_general3A_45 = tpu.matmul %sub3A, %get3A_43, %dot_general3A_44 {dimension_numbers = #tpu.dot_dimension_numbers<[1], [1], [0], [0], [0, 0, 1, 0], [], []>, transpose_lhs_hint = false} : vector<512x768xf32>, vector<32x768xf32>, vector<512x32xf32> -> vector<512x32xf32>
    %get3A_46 = arith.constant 0 : index
    %get3A_47 = arith.constant 0 : index
    %get3A_48 = arith.constant 0 : index
    %get3A_49 = vector.load %arg9[%get3A_46, %get3A_47, %get3A_48] : memref<1x32x768xf32, #tpu.memory_space<vmem>>, vector<1x32x768xf32>
    %get3A_50 = vector.shape_cast %get3A_49 : vector<1x32x768xf32> to vector<32x768xf32>
    %dot_general3A_51 = arith.constant dense<0.000000e+00> : vector<512x32xf32>
    %dot_general3A_52 = tpu.matmul %add3A, %get3A_50, %dot_general3A_51 {dimension_numbers = #tpu.dot_dimension_numbers<[1], [1], [0], [0], [0, 0, 1, 0], [], []>, transpose_lhs_hint = false} : vector<512x768xf32>, vector<32x768xf32>, vector<512x32xf32> -> vector<512x32xf32>
    %add3A_53 = arith.addf %dot_general3A_45, %dot_general3A_52 : vector<512x32xf32>
    %mul3A_54 = arith.constant 0.0360843912 : f32
    %mul3A_55 = vector.broadcast %mul3A_54 : f32 to vector<512x32xf32>
    %mul3A_56 = arith.mulf %add3A_53, %mul3A_55 : vector<512x32xf32>
    %get3A_57 = arith.constant 0 : index
    %get3A_58 = arith.constant 0 : index
    %get3A_59 = arith.constant 0 : index
    %get3A_60 = vector.load %arg12[%get3A_57, %get3A_58, %get3A_59] : memref<1x1x32xf32, #tpu.memory_space<vmem>>, vector<1x1x32xf32>
    %get3A_61 = vector.shape_cast %get3A_60 : vector<1x1x32xf32> to vector<1x32xf32>
    %sub3A_62 = arith.constant 1.000000e+00 : f32
    %sub3A_63 = vector.broadcast %sub3A_62 : f32 to vector<1x32xf32>
    %sub3A_64 = arith.subf %get3A_61, %sub3A_63 : vector<1x32xf32>
    %mul3A_65 = arith.constant 1.000000e+09 : f32
    %mul3A_66 = vector.broadcast %mul3A_65 : f32 to vector<1x32xf32>
    %mul3A_67 = arith.mulf %sub3A_64, %mul3A_66 : vector<1x32xf32>
    %add3A_68 = vector.broadcast %mul3A_67 : vector<1x32xf32> to vector<512x32xf32>
    %add3A_69 = arith.addf %mul3A_56, %add3A_68 : vector<512x32xf32>
    %reduce_max3A = arith.constant dense<0xFF800000> : vector<512xf32>
    %reduce_max3A_70 = vector.multi_reduction <maximumf>, %add3A_69, %reduce_max3A [1] : vector<512x32xf32> to vector<512xf32>
    %broadcast_in_dim3A = vector.shape_cast %reduce_max3A_70 : vector<512xf32> to vector<512x1xf32>
    %ge3A = vector.broadcast %broadcast_in_dim3A : vector<512x1xf32> to vector<512x32xf32>
    %ge3A_71 = arith.cmpf oge, %add3A_69, %ge3A : vector<512x32xf32>
    %jit3A = arith.constant -1.000000e+30 : f32
    %broadcast_in_dim3A_72 = vector.broadcast %jit3A : f32 to vector<512x32xf32>
    %select_n3A = arith.select %ge3A_71, %broadcast_in_dim3A_72, %add3A_69 : vector<512x32xi1>, vector<512x32xf32>
    %reduce_max3A_73 = arith.constant dense<0xFF800000> : vector<512xf32>
    %reduce_max3A_74 = vector.multi_reduction <maximumf>, %select_n3A, %reduce_max3A_73 [1] : vector<512x32xf32> to vector<512xf32>
    %broadcast_in_dim3A_75 = vector.shape_cast %reduce_max3A_74 : vector<512xf32> to vector<512x1xf32>
    %ge3A_76 = vector.broadcast %broadcast_in_dim3A_75 : vector<512x1xf32> to vector<512x32xf32>
    %ge3A_77 = arith.cmpf oge, %select_n3A, %ge3A_76 : vector<512x32xf32>
    %jit3A_78 = arith.constant -1.000000e+30 : f32
    %broadcast_in_dim3A_79 = vector.broadcast %jit3A_78 : f32 to vector<512x32xf32>
    %select_n3A_80 = arith.select %ge3A_77, %broadcast_in_dim3A_79, %select_n3A : vector<512x32xi1>, vector<512x32xf32>
    %reduce_max3A_81 = arith.constant dense<0xFF800000> : vector<512xf32>
    %reduce_max3A_82 = vector.multi_reduction <maximumf>, %select_n3A_80, %reduce_max3A_81 [1] : vector<512x32xf32> to vector<512xf32>
    %broadcast_in_dim3A_83 = vector.shape_cast %reduce_max3A_82 : vector<512xf32> to vector<512x1xf32>
    %ge3A_84 = vector.broadcast %broadcast_in_dim3A_83 : vector<512x1xf32> to vector<512x32xf32>
    %ge3A_85 = arith.cmpf oge, %select_n3A_80, %ge3A_84 : vector<512x32xf32>
    %jit3A_86 = arith.constant -1.000000e+30 : f32
    %broadcast_in_dim3A_87 = vector.broadcast %jit3A_86 : f32 to vector<512x32xf32>
    %select_n3A_88 = arith.select %ge3A_85, %broadcast_in_dim3A_87, %select_n3A_80 : vector<512x32xi1>, vector<512x32xf32>
    %reduce_max3A_89 = arith.constant dense<0xFF800000> : vector<512xf32>
    %reduce_max3A_90 = vector.multi_reduction <maximumf>, %select_n3A_88, %reduce_max3A_89 [1] : vector<512x32xf32> to vector<512xf32>
    %broadcast_in_dim3A_91 = vector.shape_cast %reduce_max3A_90 : vector<512xf32> to vector<512x1xf32>
    %ge3A_92 = vector.broadcast %broadcast_in_dim3A_91 : vector<512x1xf32> to vector<512x32xf32>
    %ge3A_93 = arith.cmpf oge, %select_n3A_88, %ge3A_92 : vector<512x32xf32>
    %jit3A_94 = arith.constant -1.000000e+30 : f32
    %broadcast_in_dim3A_95 = vector.broadcast %jit3A_94 : f32 to vector<512x32xf32>
    %select_n3A_96 = arith.select %ge3A_93, %broadcast_in_dim3A_95, %select_n3A_88 : vector<512x32xi1>, vector<512x32xf32>
    %reduce_max3A_97 = arith.constant dense<0xFF800000> : vector<512xf32>
    %reduce_max3A_98 = vector.multi_reduction <maximumf>, %select_n3A_96, %reduce_max3A_97 [1] : vector<512x32xf32> to vector<512xf32>
    %broadcast_in_dim3A_99 = vector.shape_cast %reduce_max3A_98 : vector<512xf32> to vector<512x1xf32>
    %ge3A_100 = vector.broadcast %broadcast_in_dim3A_99 : vector<512x1xf32> to vector<512x32xf32>
    %ge3A_101 = arith.cmpf oge, %select_n3A_96, %ge3A_100 : vector<512x32xf32>
    %jit3A_102 = arith.constant -1.000000e+30 : f32
    %broadcast_in_dim3A_103 = vector.broadcast %jit3A_102 : f32 to vector<512x32xf32>
    %select_n3A_104 = arith.select %ge3A_101, %broadcast_in_dim3A_103, %select_n3A_96 : vector<512x32xi1>, vector<512x32xf32>
    %reduce_max3A_105 = arith.constant dense<0xFF800000> : vector<512xf32>
    %reduce_max3A_106 = vector.multi_reduction <maximumf>, %select_n3A_104, %reduce_max3A_105 [1] : vector<512x32xf32> to vector<512xf32>
    %broadcast_in_dim3A_107 = vector.shape_cast %reduce_max3A_106 : vector<512xf32> to vector<512x1xf32>
    %ge3A_108 = vector.broadcast %broadcast_in_dim3A_107 : vector<512x1xf32> to vector<512x32xf32>
    %ge3A_109 = arith.cmpf oge, %select_n3A_104, %ge3A_108 : vector<512x32xf32>
    %jit3A_110 = arith.constant -1.000000e+30 : f32
    %broadcast_in_dim3A_111 = vector.broadcast %jit3A_110 : f32 to vector<512x32xf32>
    %select_n3A_112 = arith.select %ge3A_109, %broadcast_in_dim3A_111, %select_n3A_104 : vector<512x32xi1>, vector<512x32xf32>
    %reduce_max3A_113 = arith.constant dense<0xFF800000> : vector<512xf32>
    %reduce_max3A_114 = vector.multi_reduction <maximumf>, %select_n3A_112, %reduce_max3A_113 [1] : vector<512x32xf32> to vector<512xf32>
    %broadcast_in_dim3A_115 = vector.shape_cast %reduce_max3A_114 : vector<512xf32> to vector<512x1xf32>
    %ge3A_116 = vector.broadcast %broadcast_in_dim3A_115 : vector<512x1xf32> to vector<512x32xf32>
    %ge3A_117 = arith.cmpf oge, %select_n3A_112, %ge3A_116 : vector<512x32xf32>
    %jit3A_118 = arith.constant -1.000000e+30 : f32
    %broadcast_in_dim3A_119 = vector.broadcast %jit3A_118 : f32 to vector<512x32xf32>
    %select_n3A_120 = arith.select %ge3A_117, %broadcast_in_dim3A_119, %select_n3A_112 : vector<512x32xi1>, vector<512x32xf32>
    %reduce_max3A_121 = arith.constant dense<0xFF800000> : vector<512xf32>
    %reduce_max3A_122 = vector.multi_reduction <maximumf>, %select_n3A_120, %reduce_max3A_121 [1] : vector<512x32xf32> to vector<512xf32>
    %broadcast_in_dim3A_123 = vector.shape_cast %reduce_max3A_122 : vector<512xf32> to vector<512x1xf32>
    %ge3A_124 = vector.broadcast %broadcast_in_dim3A_123 : vector<512x1xf32> to vector<512x32xf32>
    %ge3A_125 = arith.cmpf oge, %add3A_69, %ge3A_124 : vector<512x32xf32>
    %sub3A_126 = vector.broadcast %broadcast_in_dim3A : vector<512x1xf32> to vector<512x32xf32>
    %sub3A_127 = arith.subf %add3A_69, %sub3A_126 : vector<512x32xf32>
    %exp3A = math.exp %sub3A_127 : vector<512x32xf32>
    %jit3A_128 = arith.constant 0.000000e+00 : f32
    %broadcast_in_dim3A_129 = vector.broadcast %jit3A_128 : f32 to vector<512x32xf32>
    %select_n3A_130 = arith.select %ge3A_125, %exp3A, %broadcast_in_dim3A_129 : vector<512x32xi1>, vector<512x32xf32>
    %reduce_sum3A = arith.constant dense<0.000000e+00> : vector<512xf32>
    %reduce_sum3A_131 = vector.multi_reduction <add>, %select_n3A_130, %reduce_sum3A [1] : vector<512x32xf32> to vector<512xf32>
    %broadcast_in_dim3A_132 = vector.shape_cast %reduce_sum3A_131 : vector<512xf32> to vector<512x1xf32>
    %div3A_133 = vector.broadcast %broadcast_in_dim3A_132 : vector<512x1xf32> to vector<512x32xf32>
    %div3A_134 = arith.divf %select_n3A_130, %div3A_133 : vector<512x32xf32>
    %get3A_135 = arith.constant 0 : index
    %get3A_136 = arith.constant 0 : index
    %get3A_137 = arith.constant 0 : index
    %get3A_138 = vector.load %arg10[%get3A_135, %get3A_136, %get3A_137] : memref<1x32x768xf32, #tpu.memory_space<vmem>>, vector<1x32x768xf32>
    %get3A_139 = vector.shape_cast %get3A_138 : vector<1x32x768xf32> to vector<32x768xf32>
    %dot_general3A_140 = arith.constant dense<0.000000e+00> : vector<512x768xf32>
    %dot_general3A_141 = tpu.matmul %div3A_134, %get3A_139, %dot_general3A_140 {dimension_numbers = #tpu.dot_dimension_numbers<[1], [0], [0], [1], [0, 0, 1, 1], [], []>, transpose_lhs_hint = false} : vector<512x32xf32>, vector<32x768xf32>, vector<512x768xf32> -> vector<512x768xf32>
    %swap3A = arith.constant 0 : index
    %swap3A_142 = arith.constant 0 : index
    %swap3A_143 = arith.constant 0 : index
    %swap3A_144 = vector.load %arg13[%swap3A, %swap3A_142, %swap3A_143] : memref<1x512x768xf32, #tpu.memory_space<vmem>>, vector<1x512x768xf32>
    %swap3A_145 = vector.shape_cast %swap3A_144 : vector<1x512x768xf32> to vector<512x768xf32>
    %swap3A_146 = vector.shape_cast %dot_general3A_141 : vector<512x768xf32> to vector<1x512x768xf32>
    tpu.vector_store %arg13[%swap3A, %swap3A_142, %swap3A_143], %swap3A_146 {strides = array<i32>} : memref<1x512x768xf32, #tpu.memory_space<vmem>>, vector<1x512x768xf32>,
    %get3A_147 = arith.constant 0 : index
    %get3A_148 = arith.constant 0 : index
    %get3A_149 = arith.constant 0 : index
    %get3A_150 = vector.load %arg11[%get3A_147, %get3A_148, %get3A_149] : memref<1x32x768xf32, #tpu.memory_space<vmem>>, vector<1x32x768xf32>
    %get3A_151 = vector.shape_cast %get3A_150 : vector<1x32x768xf32> to vector<32x768xf32>
    %dot_general3A_152 = arith.constant dense<0.000000e+00> : vector<512x768xf32>
    %dot_general3A_153 = tpu.matmul %div3A_134, %get3A_151, %dot_general3A_152 {dimension_numbers = #tpu.dot_dimension_numbers<[1], [0], [0], [1], [0, 0, 1, 1], [], []>, transpose_lhs_hint = false} : vector<512x32xf32>, vector<32x768xf32>, vector<512x768xf32> -> vector<512x768xf32>
    %swap3A_154 = arith.constant 0 : index
    %swap3A_155 = arith.constant 0 : index
    %swap3A_156 = arith.constant 0 : index
    %swap3A_157 = vector.load %arg14[%swap3A_154, %swap3A_155, %swap3A_156] : memref<1x512x768xf32, #tpu.memory_space<vmem>>, vector<1x512x768xf32>
    %swap3A_158 = vector.shape_cast %swap3A_157 : vector<1x512x768xf32> to vector<512x768xf32>
    %swap3A_159 = vector.shape_cast %dot_general3A_153 : vector<512x768xf32> to vector<1x512x768xf32>
    tpu.vector_store %arg14[%swap3A_154, %swap3A_155, %swap3A_156], %swap3A_159 {strides = array<i32>} : memref<1x512x768xf32, #tpu.memory_space<vmem>>, vector<1x512x768xf32>,
    return
  }
  func.func @transform_0(%arg0: i32, %arg1: i32) -> (i32, i32, i32) {
    %c0_i32 = arith.constant 0 : i32
    %c0_i32_0 = arith.constant 0 : i32
    return %arg0, %arg1, %c0_i32 : i32, i32, i32
  }
  func.func @transform_1(%arg0: i32, %arg1: i32) -> (i32, i32, i32) {
    %c0_i32 = arith.constant 0 : i32
    %c0_i32_0 = arith.constant 0 : i32
    return %arg0, %arg1, %c0_i32 : i32, i32, i32
  }
  func.func @transform_2(%arg0: i32, %arg1: i32) -> (i32, i32, i32) {
    %c0_i32 = arith.constant 0 : i32
    %c0_i32_0 = arith.constant 0 : i32
    return %arg0, %arg1, %c0_i32 : i32, i32, i32
  }
  func.func @transform_3(%arg0: i32, %arg1: i32) -> (i32, i32) {
    %c0_i32 = arith.constant 0 : i32
    %c0_i32_0 = arith.constant 0 : i32
    %c0_i32_1 = arith.constant 0 : i32
    return %c0_i32, %c0_i32_0 : i32, i32
  }
  func.func @transform_4(%arg0: i32, %arg1: i32) -> (i32, i32) {
    %c0_i32 = arith.constant 0 : i32
    %c0_i32_0 = arith.constant 0 : i32
    %c0_i32_1 = arith.constant 0 : i32
    return %c0_i32, %c0_i32_0 : i32, i32
  }
  func.func @transform_5(%arg0: i32, %arg1: i32) -> (i32, i32) {
    %c0_i32 = arith.constant 0 : i32
    %c0_i32_0 = arith.constant 0 : i32
    %c0_i32_1 = arith.constant 0 : i32
    return %c0_i32, %c0_i32_0 : i32, i32
  }
  func.func @transform_6(%arg0: i32, %arg1: i32) -> (i32, i32, i32) {
    %c0_i32 = arith.constant 0 : i32
    %c0_i32_0 = arith.constant 0 : i32
    %c0_i32_1 = arith.constant 0 : i32
    return %arg0, %c0_i32, %c0_i32_0 : i32, i32, i32
  }
  func.func @transform_7(%arg0: i32, %arg1: i32) -> (i32, i32, i32) {
    %c0_i32 = arith.constant 0 : i32
    %c0_i32_0 = arith.constant 0 : i32
    %c0_i32_1 = arith.constant 0 : i32
    return %arg0, %c0_i32, %c0_i32_0 : i32, i32, i32
  }
  func.func @transform_8(%arg0: i32, %arg1: i32) -> (i32, i32, i32) {
    %c0_i32 = arith.constant 0 : i32
    %c0_i32_0 = arith.constant 0 : i32
    %c0_i32_1 = arith.constant 0 : i32
    return %arg0, %c0_i32, %c0_i32_0 : i32, i32, i32
  }
  func.func @transform_9(%arg0: i32, %arg1: i32) -> (i32, i32, i32) {
    %c0_i32 = arith.constant 0 : i32
    %c0_i32_0 = arith.constant 0 : i32
    %c0_i32_1 = arith.constant 0 : i32
    return %arg0, %c0_i32, %c0_i32_0 : i32, i32, i32
  }
  func.func @transform_10(%arg0: i32, %arg1: i32) -> (i32, i32, i32) {
    %c0_i32 = arith.constant 0 : i32
    %c0_i32_0 = arith.constant 0 : i32
    %c0_i32_1 = arith.constant 0 : i32
    return %arg0, %c0_i32, %c0_i32_0 : i32, i32, i32
  }
  func.func @transform_11(%arg0: i32, %arg1: i32) -> (i32, i32, i32) {
    %c0_i32 = arith.constant 0 : i32
    %c0_i32_0 = arith.constant 0 : i32
    return %arg0, %arg1, %c0_i32 : i32, i32, i32
  }
  func.func @transform_12(%arg0: i32, %arg1: i32) -> (i32, i32, i32) {
    %c0_i32 = arith.constant 0 : i32
    %c0_i32_0 = arith.constant 0 : i32
    return %arg0, %arg1, %c0_i32 : i32, i32, i32
  }
}

</mosaic_0001>

<sc_bundles>
// kernel: sparse-core-data-format-call.cloned.1.call-start
scs
called_computation_lowered:
.L_overlay_start_0:
0x0: {  	s2 =	sld [smem:$0x3FD9]  }
0x1: {  	s3 =	sld [smem:$0x3FFE];
	_ =	sdelay $0x1  }
0x2: {  	s1 =	srdreg.scid  }
0x3: {  	s0 =	sand.u32 $0x1, s1  }
0x4: {  	s15 =	sshll.u32 s0, $0xA;
	s2 =	sadd.s32 s3, s2  }
0x5: {  	s2 =	sadd.s32 s2, s15  }
0x6: {  	[smem:$0x3FB9] =	sst s2  }
0x7: {  	_ = 	snop  }
0x8: {  	s2 =	sld [smem:$0x3FD0];
	_ =	sdelay $0x2  }
0x9: {  	s16 =	simm.s32 $0xA;
	s4 =	simm.s32 $0x10  }
0xa: {  	[smem:s4], [sflag:s16] =	dma.local [hbm:s2], $0x1  }
0xb: {  	_ =	swait.eq [sflag:s16], $0x1  }
0xc: {  	[sflag:s16] =	ssyncset.done $0x0  }
0xd: {  	[sflag:s16] =	ssyncadd.s32 $0xFFFFFFFF  }
0xe: {  	s17 =	sld [smem:$0x10];
	(tm) =	ssettm $0x1  }
0xf: {  	s18 =	sld [smem:$0x3FFB];
	_ =	sdelay $0x3  }
0x10: {  	_ =	strace s18  }
0x11: {  	s3 =	sld [smem:$0x3FFC];
	_ =	sdelay $0x3  }
0x12: {  	_ =	strace s3  }
0x13: {  	s3 =	sld [smem:$0x3FFD];
	_ =	sdelay $0x3  }
0x14: {  	_ =	strace s3  }
0x15: {  	_ =	strace $0x8FFFFFFF  }
0x16: {  	s19 =	sld [smem:$0x3FDB];
	_ =	sdelay $0x1  }
0x17: {  	s20 =	simm.s32 $_scs_section_size  }
0x18: {  	s5 =	simm.s32 $_size__tile_overlayer_lowered;
	s6 =	simm.s32 $_tile_overlayer_lowered  }
0x19: {  	s23 =	simm.s32 $0x1BFF;
	s22 =	sshll.u32 s6, $0x1;
	s3 =	sadd.s32 s20, s19  }
0x1a: {  	s7 =	simm.s32 $0x0;
	s21 =	sshll.u32 s5, $0x1;
	s5 =	sadd.s32 s22, s3  }
0x1b: {  	[timem:s7], [sflag:s23] =	dma.local [hbm:s5], s21  }
0x1c: {  	_ =	swait.ge [sflag:s23], s21  }
0x1d: {  	s4 =	ssub.s32 $0x0, s21;
	[sflag:s23] =	ssyncset.done $0x0  }
0x1e: {  	[sflag:s23] =	ssyncadd.s32 s4;
	_ =	sdelay $0x1  }
0x1f: {  	s24 =	simm.s32 $0x1B8B  }
0x20: {  	_ =	swait.ge [sflag:s24], $0x1  }
0x21: {  	[sflag:s24] =	ssyncset.done $0x0  }
0x22: {  	s26 =	simm.s32 $0x1B8E;
	s25 =	sld [smem:$0x3FFE];
	[sflag:s24] =	ssyncadd.s32 $0xFFFFFFFF  }
0x23: {  	s27 =	simm.s32 $execute0_lowered;
	[smem:$0x3FD2] =	sst s26  }
0x24: {  	s5 =	sshll.u32 s27, $0x1;
	_ =	strace $0x80000046;
	[dreg:$0x1] =	wrdreg $0xFFFFFFFF  }
0x25: {  	s28 =	simm.s32 $_size_execute0_lowered;
	s3 =	sadd.s32 s3, s5;
	[dreg:$0x0] =	wrdreg $0x0  }
0x26: {  	s5 =	sshll.u32 s28, $0x1;
	[dreg:$0x2] =	wrdreg s3  }
0x27: {  	[dreg:$0x3] =	wrdreg s5  }
0x28: {  	[dreg:$0x4] =	wrdreg $0xC0  }
0x29: {  	_ =	task [dreg:s7], $0x5FFFF  }
0x2a: {  	[dreg:$0x1] =	wrdreg $0xFFFFFFFF  }
0x2b: {  	[dreg:$0x0] =	wrdreg $0x60  }
0x2c: {  	[dreg:$0x2] =	wrdreg s25  }
0x2d: {  	[dreg:$0x3] =	wrdreg s17  }
0x2e: {  	[dreg:$0x4] =	wrdreg $0x9  }
0x2f: {  	_ =	task.clear_ibuf [dreg:s7], $0x5FFFF;
	_ =	strace $0x90000046  }
0x30: {  	s29 =	simm.s32 $0x9;
	_ =	strace $0x80000048  }
0x31: {  	_ =	swait.ge [sflag:s29], $0x1  }
0x32: {  	[sflag:s29] =	ssyncadd.s32 $0xFFFFFFFF  }
0x33: {  	_ =	strace $0x90000048  }
0x34: {  	_ =	sfence  }
0x35: {  	s30 =	sld [smem:$0x0];
	_ =	sdelay $0x2  }
0x36: {  	s31 =	sshll.u32 s1, $0xD;
	s1 =	sshrl.u32 s1, $0x2  }
0x37: {  	s3 =	sand.u32 $0x4000, s31;
	s1 =	sadd.s32 s1, s30  }
0x38: {  	s0 =	sor.u32 s3, s0;
	s1 =	sshll.u32 s1, $0x11  }
0x39: {  	s0 =	sor.u32 s1, s0  }
0x3a: {  	s0 =	sadd.s32 $0x8F2B, s0  }
0x3b: {  	[sflag:s0] =	ssyncadd.remote.s32 $0x1  }
0x3c: {  	_ =	sfence.sel $0xFFFF  }
0x3d: {  	[dreg:$0x0] =	wrdreg $0xFFFFFFFF;
	(pc) =	sbr.abs _section_cstart, $3  }
0x3e: {  	[dreg:$0x1] =	wrdreg $0xFFFFFFFF  }
0x3f: {  	_ =	task.clear_ibuf [dreg:s7], $0x2FFFF;
	_ =	strace $0x9FFFFFFF  }
0x40: {  	(tm) =	ssettm $0x7FFFFFFF  }
0x41: {  	_ =	shalt  }
tec
execute0_lowered:
.L_overlay_start_1:
0x0: {  	(tag) =	ssettag $0x1  }
0x1: {  	s0 =	stileid.u32;
	s1 =	srdreg.scid  }
0x2: {  	s7 =	rddreg [dreg:$0x0];
	s2 =	sshll.u32 s0, $0x4;
	s1 =	sshll.u32 s1, $0x8  }
0x3: {  	s9 =	simm.s32 $0x2;
	s19 =	simm.s32 $0x0;
	s1 =	sor.u32 s2, s1  }
0x4: {  	s10 =	simm.s32 $0x600;
	s11 =	simm.s32 $0x0;
	s1 =	sand.u32 $0x180, s1  }
0x5: {  	s17 =	simm.s32 $0x0;
	s2 =	sand.u32 $0x1, s0;
	s3 =	ssub.s32 $0x800, s1  }
0x6: {  	s18 =	simm.s32 $0x0;
	s4 =	ssub.s32 $0x2, s2;
	s5 =	sand.u32 $0x180, s3  }
0x7: {  	s6 =	sshrl.u32 s4, $0x1;
	p0 =	sne.s32 s5, $0x0;
	s5 =	simm.s32 $0x1  }
0x8: {  	s8 =	sand.u32 $0x1, s4;
	s3 =	sshrl.u32 s3, $0x9;
	s5 =	simm.s32 @!p0 $0x0  }
0x9: {  	s20 =	simm.s32 $0x0;
	s6 =	sadd.s32 s8, s6;
	s5 =	sadd.s32 s5, s3  }
0xa: {  	s12 =	simm.s32 $0x0;
	s16 =	simm.s32 $0x0;
	s6 =	smul.u32 s5, s6  }
.Ltmp0:
0xb: {  	s31 =	sshrl.u32 s0, $0x1;
	s4 =	rddreg [dreg:$0x1];
	(pc) =	sbr.rel .LBB1_1-.Ltmp0, $4  }
0xc: {  	s7 =	sadd.s32 $0x2E00, s7;
	s15 =	smov.u32 s2;
	s3 =	rddreg [dreg:$0x2]  }
0xd: {  	_ =	strace $0x80000047;
	s5 =	simm.s32 $0x1;
	s6 =	smul.u32 $0x6, s6  }
0xe: {  	s13 =	smov.u32 s1;
	s8 =	sand.u32 $0x3, s31;
	[sflag:s5] =	ssyncpa.u1 $0x0  }
0xf: {  	s14 =	smov.u32 s8;
	[sflag:s9] =	ssyncpa.u1 $0x0;
	s9 =	sor.u32 $0x1, s6  }
.LBB1_4:
0x10: {  	_ =	sdelay $0x3  }
0x11: {  	s24 =	sshrl.u32 s20, $0x1;
	[tilespmem:v0+s23+$0xFFFFFFA0 ss:$0x1] =	vst.idx.msk $0xffff, v7  }
0x12: {  	s25 =	sshll.u32 s19, $0x1;
	s26 =	sshll.u32 s20, $0x7;
	v56 =	vld.idx.msk [tilespmem:v1+s22+$0x30 ss:$0x1], $0xffff;
	[tilespmem:v0+s23+$0xFFFFFFB0 ss:$0x1] =	vst.idx.msk $0xffff, v5;
	s24 =	smul.u32 $0x600, s24  }
0x13: {  	s27 =	sand.u32 $0x7F, s19;
	v57 =	vld.idx.msk [tilespmem:v1+s22+$0xFFFFFFC0 ss:$0x1], $0xffff;
	[tilespmem:v0+s23+$0xFFFFFFC0 ss:$0x1] =	vst.idx.msk $0xffff, v4;
	s25 =	sand.u32 $0xFFFFFF00, s25;
	s20 =	sand.u32 $0x80, s26  }
0x14: {  	v58 =	vld.idx.msk [tilespmem:v1+s22+$0xFFFFFFD0 ss:$0x1], $0xffff;
	[tilespmem:v0+s23+$0xFFFFFFD0 ss:$0x1] =	vst.idx.msk $0xffff, v2;
	s19 =	sor.u32 s20, s27;
	s24 =	sadd.s32 s24, s25  }
0x15: {  	v59 =	vld.idx.msk [tilespmem:v1+s22+$0xFFFFFFE0 ss:$0x1], $0xffff;
	[tilespmem:v0+s23+$0xFFFFFFE0 ss:$0x1] =	vst.idx.msk $0xffff, v3;
	s19 =	sor.u32 s24, s19  }
0x16: {  	[tilespmem:v0+s23+$0xFFFFFFF0 ss:$0x1] =	vst.idx.msk $0xffff, v6;
	v60 =	vld.idx.msk [tilespmem:v1+s22+$0xFFFFFFF0 ss:$0x1], $0xffff;
	s28 =	smulhi.u32 $0xAAAAAAAB, s19  }
0x17: {  	v61 =	vld.idx.msk [tilespmem:v1+s22+$0x0 ss:$0x1], $0xffff;
	s29 =	smulhi.u32 $0xAAAAAAAB, s24;
	[tilespmem:v0+s22+$0x0 ss:$0x1] =	vst.idx.msk $0xffff, v56  }
0x18: {  	v62 =	vld.idx.msk [tilespmem:v1+s22+$0x10 ss:$0x1], $0xffff;
	s18 =	smul.u32 $0x60000, s18;
	[tilespmem:v0+s22+$0xFFFFFF90 ss:$0x1] =	vst.idx.msk $0xffff, v57;
	s20 =	sshrl.u32 s28, $0x9  }
0x19: {  	v63 =	vld.idx.msk [tilespmem:v1+s22+$0x20 ss:$0x1], $0xffff;
	[tilespmem:v0+s22+$0xFFFFFFA0 ss:$0x1] =	vst.idx.msk $0xffff, v58;
	s23 =	sshrl.u32 s29, $0x9;
	s20 =	smul.u32 $0x300, s20  }
0x1a: {  	s17 =	smul.u32 $0xC0, s17;
	s18 =	sadd.s32 s4, s18;
	[tilespmem:v0+s22+$0xFFFFFFB0 ss:$0x1] =	vst.idx.msk $0xffff, v59;
	s30 =	sand.u32 $0x1, s23  }
0x1b: {  	[tilespmem:v0+s22+$0xFFFFFFC0 ss:$0x1] =	vst.idx.msk $0xffff, v60;
	p0 =	seq.s32 s30, $0x1;
	s19 =	ssub.s32 s19, s20;
	s20 =	simm.s32 $0x60  }
0x1c: {  	s17 =	sadd.s32 s17, s18;
	[tilespmem:v0+s22+$0xFFFFFFD0 ss:$0x1] =	vst.idx.msk $0xffff, v61;
	s20 =	simm.s32 @!p0 $0x0;
	s31 =	sand.u32 $0x7, s19  }
0x1d: {  	[tilespmem:v0+s22+$0xFFFFFFE0 ss:$0x1] =	vst.idx.msk $0xffff, v62;
	s19 =	sshrl.u32 s19, $0x3;
	s17 =	sadd.s32 s20, s17;
	s18 =	sshll.u32 s31, $0x12  }
0x1e: {  	[tilespmem:v0+s22+$0xFFFFFFF0 ss:$0x1] =	vst.idx.msk $0xffff, v63;
	s17 =	sadd.s32 s19, s17;
	s18 =	sor.u32 $0x80, s18  }
0x1f: {  	[hbm4b:s17+s18] =	stream.strided.scatter [tilespmem:s21], [sflag:$0x2], $0x4000, s10, s18, $0x38;
	[tilespmem:$0x10000] =	vst v63  }
.LBB1_5:
0x20: {  	s21 =	sadd.s32 $0x80, s12  }
0x21: {  	s17 =	sadd.s32 $0x200, s13;
	s22 =	smov.u32 s13;
	p1 =	sgt.s32 s21, $0x2FF  }
0x22: {  	s22 =	smov.u32 @p1 s17  }
0x23: {  	s23 =	smov.u32 s14;
	s17 =	sadd.s32 $0x4, s14;
	p2 =	sgt.s32 s22, $0x7FF  }
0x24: {  	s23 =	smov.u32 @p2 s17  }
0x25: {  	s24 =	smov.u32 s15;
	s17 =	sadd.s32 $0x2, s15;
	p3 =	sgt.s32 s23, $0x3  }
0x26: {  	p0 =	slt.u32 s16, $0x2;
	s24 =	smov.u32 @p3 s17  }
0x27: {  	s19 =	smov.u32 s12;
	s21 =	simm.s32 @p1 $0x0;
	p1 =	sgt.s32 s24, $0x1  }
0x28: {  	s25 =	simm.s32 @!p0 $0x2;
	s24 =	smov.u32 @p1 s2;
	p1 =	sne.s32 s16, s9  }
.Ltmp1:
0x29: {  	s18 =	smov.u32 s14;
	_ =	swait.ge @!p0 [sflag:s25], $0x4000;
	(pc) =	sbr.rel @!p1 .LBB1_6-.Ltmp1, $4  }
0x2a: {  	s20 =	smov.u32 s15;
	s11 =	sadd.s32 $0x4000, s11;
	[sflag:s25] =	ssyncset.done @!p0 $0x0  }
0x2b: {  	s12 =	smov.u32 s21;
	s22 =	smov.u32 @p2 s1;
	[sflag:s25] =	ssyncadd.s32 @!p0 $0xFFFFC000  }
0x2c: {  	s23 =	smov.u32 @p3 s8;
	s17 =	smov.u32 s13;
	s13 =	smov.u32 s22  }
0x2d: {  	s14 =	smov.u32 s23;
	s16 =	sadd.s32 $0x1, s16;
	s15 =	smov.u32 s24  }
.LBB1_1:
0x2e: {  	p0 =	sge.u32 s16, s6  }
0x2f: {  	s21 =	sshrl.u32 @!p0 s13, $0x3  }
0x30: {  	s22 =	sshll.u32 @!p0 s12, $0x3;
	s21 =	smul.u32 @!p0 $0x1800, s21  }
0x31: {  	s23 =	sshll.u32 @!p0 s13, $0x7;
	s22 =	sand.u32 @!p0 $0xFFFFFC00, s22  }
0x32: {  	s21 =	sadd.s32 @!p0 s21, s22;
	s22 =	sand.u32 @!p0 $0x380, s23  }
0x33: {  	s23 =	sand.u32 @!p0 $0x7F, s12;
	s21 =	sor.u32 @!p0 s22, s21  }
0x34: {  	s22 =	sor.u32 @!p0 s23, s21  }
0x35: {  	s23 =	smulhi.u32 @!p0 $0xAAAAAAAB, s22  }
0x36: {  	s21 =	smulhi.u32 @!p0 $0xAAAAAAAB, s21  }
0x37: {  	s31 =	sadd.s32 $0xFFFFFFFF, s16;
	s25 =	smul.u32 @!p0 $0xC0000, s15;
	s23 =	sshrl.u32 @!p0 s23, $0x9  }
0x38: {  	s24 =	sxor.u32 @!p0 $0xFFFFFFFF, s16;
	s21 =	sshrl.u32 @!p0 s21, $0x9;
	s23 =	smul.u32 @!p0 $0x300, s23  }
0x39: {  	s26 =	smul.u32 @!p0 $0x30000, s14;
	s24 =	sshll.u32 @!p0 s24, $0xE;
	s21 =	sand.u32 @!p0 $0x7FF, s21  }
0x3a: {  	s21 =	smul.u32 @!p0 $0x60, s21;
	s22 =	ssub.s32 @!p0 s22, s23;
	s23 =	sadd.s32 @!p0 s7, s25  }
0x3b: {  	s24 =	sand.u32 @!p0 $0x4000, s24;
	s23 =	sadd.s32 @!p0 s26, s23;
	s25 =	sand.u32 @!p0 $0x7, s22  }
0x3c: {  	s22 =	sshrl.u32 @!p0 s22, $0x3;
	s21 =	sadd.s32 @!p0 s21, s23;
	s23 =	sshll.u32 @!p0 s25, $0x12  }
0x3d: {  	s21 =	sadd.s32 @!p0 s22, s21;
	s22 =	sor.u32 @!p0 $0x400, s23;
	s23 =	simm.s32 @!p0 $0x1800  }
0x3e: {  	[tilespmem:s24], [sflag:$0x1] =	stream.strided.gather @!p0 [hbm4b:s21+s22], $0x4000, s23, s22, $0x38;
	[tilespmem:$0x10000] =	vst v63  }
0x3f: {  	p0 =	sge.u32 s31, s6  }
.Ltmp2:
0x40: {  	_ = 	snop;
	(pc) =	sbr.rel @p0 .LBB1_5-.Ltmp2, $1  }
0x41: {  	_ =	sdelay $0x3  }
0x42: {  	s21 =	sand.u32 $0x4000, s11  }
0x43: {  	s22 =	sor.u32 $0x40, s21  }
0x44: {  	v1 =	vmov s22;
	_ =	sdelay $0x1  }
0x45: {  	_ =	swait.ge [sflag:s5], $0x4000  }
0x46: {  	[sflag:s5] =	ssyncset.done $0x0  }
0x47: {  	s23 =	simm.s32 $0x0;
	[sflag:s5] =	ssyncadd.s32 $0xFFFFC000  }
0x48: {  	s21 =	sor.u32 $0x8070, s21;
	v6 =	vld.idx.msk [tilespmem:v1+s23+$0x30 ss:$0x1], $0xffff  }
0x49: {  	v0 =	vmov s21;
	v8 =	vld.idx.msk [tilespmem:v1+s23+$0xFFFFFFC0 ss:$0x1], $0xffff  }
0x4a: {  	v7 =	vld.idx.msk [tilespmem:v1+s23+$0xFFFFFFD0 ss:$0x1], $0xffff  }
0x4b: {  	v5 =	vld.idx.msk [tilespmem:v1+s23+$0xFFFFFFE0 ss:$0x1], $0xffff  }
0x4c: {  	v4 =	vld.idx.msk [tilespmem:v1+s23+$0xFFFFFFF0 ss:$0x1], $0xffff  }
0x4d: {  	s31 =	sshll.u32 s16, $0xE;
	v2 =	vld.idx.msk [tilespmem:v1+s23+$0x0 ss:$0x1], $0xffff  }
0x4e: {  	s21 =	sand.u32 $0x4000, s31;
	v3 =	vld.idx.msk [tilespmem:v1+s23+$0x10 ss:$0x1], $0xffff;
	[tilespmem:v0+s23+$0x0 ss:$0x1] =	vst.idx.msk $0xffff, v6  }
0x4f: {  	s24 =	simm.s32 $0x400;
	s22 =	simm.s32 $0x80;
	s21 =	sor.u32 $0x8000, s21;
	[tilespmem:v0+s23+$0xFFFFFF90 ss:$0x1] =	vst.idx.msk $0xffff, v8;
	v6 =	vld.idx.msk [tilespmem:v1+s23+$0x20 ss:$0x1], $0xffff  }
.LBB1_3:
0x50: {  	p0 =	sne.s32 s24, $0xFE00;
	v8 =	vld.idx.msk [tilespmem:v1+s22+$0x30 ss:$0x1], $0xffff;
	[tilespmem:v0+s23+$0xFFFFFFA0 ss:$0x1] =	vst.idx.msk $0xffff, v7  }
0x51: {  	v9 =	vld.idx.msk [tilespmem:v1+s22+$0xFFFFFFC0 ss:$0x1], $0xffff;
	[tilespmem:v0+s23+$0xFFFFFFB0 ss:$0x1] =	vst.idx.msk $0xffff, v5  }
0x52: {  	v7 =	vld.idx.msk [tilespmem:v1+s22+$0xFFFFFFD0 ss:$0x1], $0xffff;
	[tilespmem:v0+s23+$0xFFFFFFC0 ss:$0x1] =	vst.idx.msk $0xffff, v4  }
.Ltmp3:
0x53: {  	v5 =	vld.idx.msk [tilespmem:v1+s22+$0xFFFFFFE0 ss:$0x1], $0xffff;
	[tilespmem:v0+s23+$0xFFFFFFD0 ss:$0x1] =	vst.idx.msk $0xffff, v2;
	(pc) =	sbr.rel @p0 .LBB1_3-.Ltmp3, $4  }
0x54: {  	v4 =	vld.idx.msk [tilespmem:v1+s22+$0xFFFFFFF0 ss:$0x1], $0xffff;
	[tilespmem:v0+s23+$0xFFFFFFE0 ss:$0x1] =	vst.idx.msk $0xffff, v3  }
0x55: {  	v2 =	vld.idx.msk [tilespmem:v1+s22+$0x0 ss:$0x1], $0xffff;
	[tilespmem:v0+s23+$0xFFFFFFF0 ss:$0x1] =	vst.idx.msk $0xffff, v6;
	s23 =	smov.u32 s22  }
0x56: {  	v3 =	vld.idx.msk [tilespmem:v1+s23+$0x10 ss:$0x1], $0xffff;
	[tilespmem:v0+s23+$0x0 ss:$0x1] =	vst.idx.msk $0xffff, v8  }
0x57: {  	s22 =	sshra.s32 s24, $0x2;
	s24 =	sadd.s32 $0x200, s24;
	[tilespmem:v0+s23+$0xFFFFFF90 ss:$0x1] =	vst.idx.msk $0xffff, v9;
	v6 =	vld.idx.msk [tilespmem:v1+s23+$0x20 ss:$0x1], $0xffff  }
.Ltmp4:
0x58: {  	_ = 	snop;
	(pc) =	sbr.rel .LBB1_4-.Ltmp4, $1  }
0x59: {  	_ =	sdelay $0x3  }
.LBB1_6:
0x5a: {  	_ =	sfence.sel $0x180000  }
0x5b: {  	s1 =	simm.s32 $0x1;
	[bflag:$0x0] =	sbarrier.arrive $0xFFFF  }
0x5c: {  	s31 =	simm.s32 $0x2;
	[sflag:s1] =	ssyncpa.u1 $0x1  }
0x5d: {  	[sflag:s31] =	ssyncpa.u1 $0x1  }
0x5e: {  	p0 =	sne.s32 s0, $0x0;
	_ =	strace $0x90000047  }
0x5f: {  	s0 =	sadd.s32 @!p0 $0x100000, s3;
	[bflag:$0x2] =	sbarrier.arrive $0xFFFF  }
0x60: {  	[sflag:s0] =	ssyncadd.tile.s32 @!p0 $0x1;
	_ =	shalt  }
.Lfunc_end1:
_tile_overlayer_lowered:
.L_overlay_start_2:
0x61: {  	(tag) =	ssettag $0x2  }
0x62: {  	s0 =	rddreg [dreg:$0x0];
	s2 =	stileid.u32  }
0x63: {  	s1 =	rddreg [dreg:$0x1];
	p0 =	sne.s32 s2, $0x0  }
0x64: {  	s3 =	rddreg [dreg:$0x2];
	[bflag:$0x3] =	sbarrier.arrive $0xFFFF;
	s2 =	simm.s32 @!p0 $0x1C01  }
0x65: {  	[timem:s3], [sflag:s2] =	dma.local @!p0 [hbm:s0], s1  }
0x66: {  	s0 =	simm.s32 @!p0 $0x1  }
0x67: {  	_ =	swait.ge @!p0 [sflag:s0], s1  }
0x68: {  	s1 =	ssub.s32 @!p0 $0x0, s1;
	[sflag:s0] =	ssyncset.done @!p0 $0x0  }
0x69: {  	[sflag:s0] =	ssyncadd.s32 @!p0 s1  }
0x6a: {  	[bflag:$0x3] =	sbarrier.arrive $0xFFFF  }
0x6b: {  	_ =	shalt  }

</sc_bundles>
